<compile_context>
chip_gen: v7x
topology: tpu7x:2x2x1
jax: 0.10.2.dev20260603
libtpu: 0.0.44.dev20260713+nightly
codegen_flags: <defaults>
</compile_context>

<pallas_src>
import functools

import jax
import jax.numpy as jnp
from jax import lax
from jax.experimental import pallas as pl
from jax.experimental.pallas import tpu as pltpu
from jax.experimental.pallas import tpu_sc as plsc

NC = 2
NS = 16
NW = NC * NS
CH = 128


def _xw_body(x_ref, w_ref, o_ref):
    o_ref[...] = jnp.dot(x_ref[...], w_ref[0], preferred_element_type=jnp.float32)


def _finish_body(p_ref, b_ref, o_ref):
    o_ref[...] = jnp.maximum(p_ref[0] + p_ref[1] + b_ref[...], 0.0)


def kernel(x, edge_index, edge_type, W, b):
    n, d_in = x.shape
    r_rel, _, d_out = W.shape
    e = edge_index.shape[1]

    src = edge_index[0].astype(jnp.int32)
    dst = edge_index[1].astype(jnp.int32)
    etype = edge_type.astype(jnp.int32)

    nb = 10
    bm = n // nb
    xw = pl.pallas_call(
        _xw_body,
        grid=(r_rel, nb),
        in_specs=[
            pl.BlockSpec((bm, d_in), lambda r, i: (i, 0)),
            pl.BlockSpec((1, d_in, d_out), lambda r, i: (r, 0, 0)),
        ],
        out_specs=pl.BlockSpec((bm, d_out), lambda r, i: (r * nb + i, 0)),
        out_shape=jax.ShapeDtypeStruct((r_rel * n, d_out), jnp.float32),
    )(x, W)

    cpw = -(-e // (NW * CH))
    cpw = -(-cpw // 4) * 4
    e_pad = NW * CH * cpw
    pad = e_pad - e
    src_p = jnp.pad(src, (0, pad)).reshape(e_pad // 128, 128)
    et_p = jnp.pad(etype, (0, pad)).reshape(e_pad // 128, 128)
    dst_p = jnp.pad(dst, (0, pad), constant_values=n)

    def _idx_body(s_ref, t_ref, o_ref):
        o_ref[...] = t_ref[...] * n + s_ref[...]

    rows_blk = e_pad // 128 // 16
    rowidx = pl.pallas_call(
        _idx_body,
        grid=(16,),
        in_specs=[
            pl.BlockSpec((rows_blk, 128), lambda i: (i, 0)),
            pl.BlockSpec((rows_blk, 128), lambda i: (i, 0)),
        ],
        out_specs=pl.BlockSpec((rows_blk, 128), lambda i: (i, 0)),
        out_shape=jax.ShapeDtypeStruct((e_pad // 128, 128), jnp.int32),
    )(src_p, et_p)

    nq = cpw // 2
    comb = jnp.stack(
        [rowidx.reshape(NW, nq, 2, CH), dst_p.reshape(NW, nq, 2, CH)], axis=2
    )

    rows_per_tile = (-(-n // NS) + 7) // 8 * 8
    acc_rows = NS * rows_per_tile
    assert acc_rows > n
    zeros = jnp.zeros((rows_per_tile, d_out), jnp.float32)

    mesh = plsc.VectorSubcoreMesh(
        core_axis_name="c", subcore_axis_name="s", num_cores=NC, num_subcores=NS
    )

    @functools.partial(
        pl.kernel,
        out_type=jax.ShapeDtypeStruct((NC, acc_rows, d_out), jnp.float32),
        mesh=mesh,
        scratch_types=[
            pltpu.VMEM((2, 2, 2, CH), jnp.int32),
            [pltpu.VMEM((CH, d_out), jnp.float32)] * 2,
            pltpu.VMEM_SHARED((acc_rows, d_out), jnp.float32),
            [pltpu.SemaphoreType.DMA] * 2,
            [pltpu.SemaphoreType.DMA] * 2,
            [pltpu.SemaphoreType.DMA] * 2,
        ],
    )
    def _sc_agg(comb_hbm, xw_hbm, zeros_hbm, out_hbm,
                ring, bufs, acc, gsems, ssems, rsems):
        c = lax.axis_index("c")
        s = lax.axis_index("s")
        wid = s * NC + c
        pltpu.sync_copy(zeros_hbm, acc.at[pl.ds(s * rows_per_tile, rows_per_tile)])
        plsc.subcore_barrier()

        def stage(q, slot):
            pltpu.async_copy(comb_hbm.at[wid, q], ring.at[slot], rsems[slot])

        def wait_stage(slot):
            pltpu.make_async_copy(comb_hbm.at[wid, 0], ring.at[slot],
                                  rsems[slot]).wait()

        def run_quad(q, slot, nslot, prefetch, stage_next):
            for k in range(2):
                pltpu.make_async_copy(xw_hbm.at[ring.at[slot, 0, k]],
                                      bufs[k], gsems[k]).wait()
                pltpu.async_copy(bufs[k], acc.at[ring.at[slot, 1, k]],
                                 ssems[k], add=True)
            if prefetch:
                wait_stage(nslot)
            for k in range(2):
                pltpu.make_async_copy(bufs[k], acc.at[ring.at[slot, 1, k]],
                                      ssems[k]).wait()
                if prefetch:
                    pltpu.async_copy(xw_hbm.at[ring.at[nslot, 0, k]],
                                     bufs[k], gsems[k])
            if stage_next:
                stage(q + 2, slot)

        stage(0, 0)
        wait_stage(0)
        for k in range(2):
            pltpu.async_copy(xw_hbm.at[ring.at[0, 0, k]], bufs[k], gsems[k])
        stage(1, 1)

        def body(i, carry):
            q0 = i * 2
            run_quad(q0, 0, 1, True, True)
            run_quad(q0 + 1, 1, 0, True, True)
            return carry

        lax.fori_loop(0, nq // 2 - 1, body, 0)

        run_quad(nq - 2, 0, 1, True, False)
        run_quad(nq - 1, 1, 0, False, False)
        plsc.subcore_barrier()
        pltpu.sync_copy(
            acc.at[pl.ds(s * rows_per_tile, rows_per_tile)],
            out_hbm.at[c, pl.ds(s * rows_per_tile, rows_per_tile)],
        )

    partials = _sc_agg(comb, xw, zeros)

    out = pl.pallas_call(
        _finish_body,
        grid=(nb,),
        in_specs=[
            pl.BlockSpec((NC, bm, d_out), lambda i: (0, i, 0)),
            pl.BlockSpec((1, d_out), lambda i: (0, 0)),
        ],
        out_specs=pl.BlockSpec((bm, d_out), lambda i: (i, 0)),
        out_shape=jax.ShapeDtypeStruct((n, d_out), jnp.float32),
    )(partials, b.reshape(1, d_out))
    return out

# --- scband reference (transcript-rebuilt; emitter-appended) ---
"""Pipeline reference for scband-rgcnlayer-15264313770423 (READ-ONLY COPY).

The authoritative reference and input builder live on the scoring server;
editing this copy changes nothing except your own understanding.
"""

import jax, jax.numpy as jnp
import numpy as np

N = 10000
E = 320000
D_IN = 128
D_OUT = 128
R = 4

def setup_inputs(seed: int = 0) -> dict:
    key = jax.random.key(seed)
    k1, k2, k3, k4, k5 = jax.random.split(key, 5)
    x = jax.random.normal(k1, (N, D_IN), dtype=jnp.float32)
    edge_index = jax.random.randint(k2, (2, E), 0, N, dtype=jnp.int64)
    edge_type = jax.random.randint(k3, (E,), 0, R, dtype=jnp.int64)
    # per-relation weight matrices (RGCN) and bias, xavier-ish scale
    W = jax.random.normal(k4, (R, D_IN, D_OUT), dtype=jnp.float32) * (1.0 / np.sqrt(D_IN))
    b = jax.random.normal(k5, (D_OUT,), dtype=jnp.float32) * 0.05
    return {"x": x, "edge_index": edge_index, "edge_type": edge_type, "W": W, "b": b}

def reference(x, edge_index, edge_type, W, b):
    # RGCN propagate: per-relation linear transform of node features,
    # gather transformed src features per edge, sum-aggregate at dst.
    n = x.shape[0]
    # [R, N, D_OUT]: transform all nodes under every relation (R small)
    xw = jnp.einsum('ni,rio->rno', x, W)
    src = edge_index[0]
    dst = edge_index[1]
    # gather per-edge messages according to edge relation type (memory-bound gather)
    msgs = xw[edge_type, src]  # [E, D_OUT]
    # sum aggregator: scatter-add by destination node
    agg = jax.ops.segment_sum(msgs, dst, num_segments=n)  # [N, D_OUT]
    # bias + activation (dropout=0.0 -> identity; edge_dropout Identity)
    h = agg + b
    h = jax.nn.relu(h)
    # is_input_layer=True -> repr = h
    return h

if __name__ == "__main__":
    import jax
    _d = setup_inputs()
    print(jax.jit(kernel)(*tuple(_d.values())))

</pallas_src>

<mosaic_0001>
#map = affine_map<(d0, d1) -> (0, 0, 0, 0, 0)>
#map1 = affine_map<(d0, d1) -> (0, 0)>
#map2 = affine_map<(d0, d1) -> (0, 0, 0)>
module attributes {stable_mosaic.version = 14 : i64} {
  func.func @_sc_agg(%arg0: i32, %arg1: i32, %arg2: memref<32x40x2x2x128xi32, #tpu.memory_space<hbm>>, %arg3: memref<40000x128xf32, #tpu.memory_space<hbm>>, %arg4: memref<632x128xf32, #tpu.memory_space<hbm>>, %arg5: memref<2x10112x128xf32, #tpu.memory_space<hbm>>, %arg6: memref<2x2x2x128xi32, #tpu.memory_space<vmem>>, %arg7: memref<128x128xf32, #tpu.memory_space<vmem>>, %arg8: memref<128x128xf32, #tpu.memory_space<vmem>>, %arg9: memref<10112x128xf32, #tpu.memory_space<vmem_shared>>, %arg10: memref<!tpu.dma_semaphore, #tpu.memory_space<semaphore_mem>>, %arg11: memref<!tpu.dma_semaphore, #tpu.memory_space<semaphore_mem>>, %arg12: memref<!tpu.dma_semaphore, #tpu.memory_space<semaphore_mem>>, %arg13: memref<!tpu.dma_semaphore, #tpu.memory_space<semaphore_mem>>, %arg14: memref<!tpu.dma_semaphore, #tpu.memory_space<semaphore_mem>>, %arg15: memref<!tpu.dma_semaphore, #tpu.memory_space<semaphore_mem>>) attributes {dimension_semantics = [#tpu.dimension_semantics<core_parallel>, #tpu.dimension_semantics<subcore_parallel>], iteration_bounds = array<i64: 2, 16>, scalar_prefetch = 0 : i64, scratch_operands = 10 : i64, tpu.core_type = #tpu.core_type<sc_vector_subcore>, window_params = [{transform_indices = #map}, {transform_indices = #map1}, {transform_indices = #map1}, {transform_indices = #map2}]} {
    %mul3A = arith.constant 2 : i32
    %mul3A_0 = arith.muli %arg1, %mul3A : i32
    %add3A = arith.addi %mul3A_0, %arg0 : i32
    %mul3A_1 = arith.constant 632 : i32
    %mul3A_2 = arith.muli %arg1, %mul3A_1 : i32
    "tpu.region"() ({
      %run_scoped3A = tpu.sem_alloc : memref<!tpu.dma_semaphore, #tpu.memory_space<semaphore_mem>>
      %dma_start3A_243 = arith.constant 0 : i32
      %dma_start3A_244 = tpu.memref_slice %arg9[%mul3A_2, %dma_start3A_243] : memref<10112x128xf32, #tpu.memory_space<vmem_shared>> -> memref<632x128xf32, #tpu.memory_space<vmem_shared>>
      tpu.enqueue_dma source(%arg4 : memref<632x128xf32, #tpu.memory_space<hbm>>) target(%dma_start3A_244 : memref<632x128xf32, #tpu.memory_space<vmem_shared>>) target_semaphore(%run_scoped3A : memref<!tpu.dma_semaphore, #tpu.memory_space<semaphore_mem>>)
      %dma_wait3A_245 = arith.constant 0 : i32
      %dma_wait3A_246 = tpu.memref_slice %arg9[%mul3A_2, %dma_wait3A_245] : memref<10112x128xf32, #tpu.memory_space<vmem_shared>> -> memref<632x128xf32, #tpu.memory_space<vmem_shared>>
      tpu.wait_dma2 semaphore(%run_scoped3A : memref<!tpu.dma_semaphore, #tpu.memory_space<semaphore_mem>>) src(%arg4 : memref<632x128xf32, #tpu.memory_space<hbm>>) dst(%dma_wait3A_246 : memref<632x128xf32, #tpu.memory_space<vmem_shared>>)
      tpu.yield
    }) : () -> ()
    %barrier3A = arith.constant 0 : index
    tpu.barrier barrier_id(%barrier3A)
    %dma_start3A = arith.constant 0 : i32
    %dma_start3A_3 = arith.constant 0 : i32
    %dma_start3A_4 = arith.constant 0 : i32
    %dma_start3A_5 = arith.constant 0 : i32
    %dma_start3A_6 = arith.constant 0 : i32
    %dma_start3A_7 = tpu.memref_slice %arg6[%dma_start3A_3, %dma_start3A_4, %dma_start3A_5, %dma_start3A_6] : memref<2x2x2x128xi32, #tpu.memory_space<vmem>> -> memref<1x2x2x128xi32, #tpu.memory_space<vmem>>
    %dma_start3A_8 = tpu.memref_squeeze %dma_start3A_7 : memref<1x2x2x128xi32, #tpu.memory_space<vmem>> -> memref<2x2x128xi32, #tpu.memory_space<vmem>>
    %dma_start3A_9 = arith.constant 0 : i32
    %dma_start3A_10 = arith.constant 0 : i32
    %dma_start3A_11 = arith.constant 0 : i32
    %dma_start3A_12 = tpu.memref_slice %arg2[%add3A, %dma_start3A, %dma_start3A_9, %dma_start3A_10, %dma_start3A_11] : memref<32x40x2x2x128xi32, #tpu.memory_space<hbm>> -> memref<1x1x2x2x128xi32, #tpu.memory_space<hbm>>
    %dma_start3A_13 = tpu.memref_squeeze %dma_start3A_12 : memref<1x1x2x2x128xi32, #tpu.memory_space<hbm>> -> memref<2x2x128xi32, #tpu.memory_space<hbm>>
    %dma_start3A_14 = arith.constant 0 : i32
    %dma_start3A_15 = arith.constant 0 : i32
    %dma_start3A_16 = arith.constant 0 : i32
    %dma_start3A_17 = tpu.memref_slice %arg6[%dma_start3A_3, %dma_start3A_14, %dma_start3A_15, %dma_start3A_16] : memref<2x2x2x128xi32, #tpu.memory_space<vmem>> -> memref<1x2x2x128xi32, #tpu.memory_space<vmem>>
    %dma_start3A_18 = tpu.memref_squeeze %dma_start3A_17 : memref<1x2x2x128xi32, #tpu.memory_space<vmem>> -> memref<2x2x128xi32, #tpu.memory_space<vmem>>
    %dma_start3A_19 = arith.constant 0 : i32
    %dma_start3A_20 = arith.constant 0 : i32
    %dma_start3A_21 = arith.constant 0 : i32
    %dma_start3A_22 = tpu.memref_slice %arg2[%add3A, %dma_start3A, %dma_start3A_19, %dma_start3A_20, %dma_start3A_21] : memref<32x40x2x2x128xi32, #tpu.memory_space<hbm>> -> memref<1x1x2x2x128xi32, #tpu.memory_space<hbm>>
    %dma_start3A_23 = tpu.memref_squeeze %dma_start3A_22 : memref<1x1x2x2x128xi32, #tpu.memory_space<hbm>> -> memref<2x2x128xi32, #tpu.memory_space<hbm>>
    tpu.enqueue_dma source(%dma_start3A_23 : memref<2x2x128xi32, #tpu.memory_space<hbm>>) target(%dma_start3A_18 : memref<2x2x128xi32, #tpu.memory_space<vmem>>) target_semaphore(%arg14 : memref<!tpu.dma_semaphore, #tpu.memory_space<semaphore_mem>>)
    %dma_wait3A = arith.constant 0 : i32
    %dma_wait3A_24 = arith.constant 0 : i32
    %dma_wait3A_25 = arith.constant 0 : i32
    %dma_wait3A_26 = arith.constant 0 : i32
    %dma_wait3A_27 = arith.constant 0 : i32
    %dma_wait3A_28 = tpu.memref_slice %arg6[%dma_wait3A_24, %dma_wait3A_25, %dma_wait3A_26, %dma_wait3A_27] : memref<2x2x2x128xi32, #tpu.memory_space<vmem>> -> memref<1x2x2x128xi32, #tpu.memory_space<vmem>>
    %dma_wait3A_29 = tpu.memref_squeeze %dma_wait3A_28 : memref<1x2x2x128xi32, #tpu.memory_space<vmem>> -> memref<2x2x128xi32, #tpu.memory_space<vmem>>
    %dma_wait3A_30 = arith.constant 0 : i32
    %dma_wait3A_31 = arith.constant 0 : i32
    %dma_wait3A_32 = arith.constant 0 : i32
    %dma_wait3A_33 = tpu.memref_slice %arg2[%add3A, %dma_wait3A, %dma_wait3A_30, %dma_wait3A_31, %dma_wait3A_32] : memref<32x40x2x2x128xi32, #tpu.memory_space<hbm>> -> memref<1x1x2x2x128xi32, #tpu.memory_space<hbm>>
    %dma_wait3A_34 = tpu.memref_squeeze %dma_wait3A_33 : memref<1x1x2x2x128xi32, #tpu.memory_space<hbm>> -> memref<2x2x128xi32, #tpu.memory_space<hbm>>
    %dma_wait3A_35 = arith.constant 0 : i32
    %dma_wait3A_36 = arith.constant 0 : i32
    %dma_wait3A_37 = arith.constant 0 : i32
    %dma_wait3A_38 = tpu.memref_slice %arg6[%dma_wait3A_24, %dma_wait3A_35, %dma_wait3A_36, %dma_wait3A_37] : memref<2x2x2x128xi32, #tpu.memory_space<vmem>> -> memref<1x2x2x128xi32, #tpu.memory_space<vmem>>
    %dma_wait3A_39 = tpu.memref_squeeze %dma_wait3A_38 : memref<1x2x2x128xi32, #tpu.memory_space<vmem>> -> memref<2x2x128xi32, #tpu.memory_space<vmem>>
    %dma_wait3A_40 = arith.constant 0 : i32
    %dma_wait3A_41 = arith.constant 0 : i32
    %dma_wait3A_42 = arith.constant 0 : i32
    %dma_wait3A_43 = tpu.memref_slice %arg2[%add3A, %dma_wait3A, %dma_wait3A_40, %dma_wait3A_41, %dma_wait3A_42] : memref<32x40x2x2x128xi32, #tpu.memory_space<hbm>> -> memref<1x1x2x2x128xi32, #tpu.memory_space<hbm>>
    %dma_wait3A_44 = tpu.memref_squeeze %dma_wait3A_43 : memref<1x1x2x2x128xi32, #tpu.memory_space<hbm>> -> memref<2x2x128xi32, #tpu.memory_space<hbm>>
    tpu.wait_dma2 semaphore(%arg14 : memref<!tpu.dma_semaphore, #tpu.memory_space<semaphore_mem>>) src(%dma_wait3A_44 : memref<2x2x128xi32, #tpu.memory_space<hbm>>) dst(%dma_wait3A_39 : memref<2x2x128xi32, #tpu.memory_space<vmem>>)
    %dma_start3A_45 = arith.constant 0 : i32
    %dma_start3A_46 = arith.constant 0 : i32
    %dma_start3A_47 = arith.constant 0 : i32
    %dma_start3A_48 = arith.constant 0 : i32
    %dma_start3A_49 = tpu.memref_slice %arg6[%dma_start3A_45, %dma_start3A_46, %dma_start3A_47, %dma_start3A_48] : memref<2x2x2x128xi32, #tpu.memory_space<vmem>> -> memref<1x1x1x128xi32, #tpu.memory_space<vmem>>
    %dma_start3A_50 = tpu.memref_squeeze %dma_start3A_49 : memref<1x1x1x128xi32, #tpu.memory_space<vmem>> -> memref<128xi32, #tpu.memory_space<vmem>>
    %dma_start3A_51 = arith.constant 0 : i32
    %dma_start3A_52 = arith.constant 0 : i32
    %dma_start3A_53 = tpu.memref_slice %arg3[%dma_start3A_51, %dma_start3A_52] : memref<40000x128xf32, #tpu.memory_space<hbm>> -> memref<40000x128xf32, #tpu.memory_space<hbm>>
    tpu.enqueue_indirect_dma source(%dma_start3A_53 : memref<40000x128xf32, #tpu.memory_space<hbm>>) target(%arg7 : memref<128x128xf32, #tpu.memory_space<vmem>>) offsets(%dma_start3A_50 : memref<128xi32, #tpu.memory_space<vmem>>) semaphore(%arg10 : memref<!tpu.dma_semaphore, #tpu.memory_space<semaphore_mem>>)
    %dma_start3A_54 = arith.constant 0 : i32
    %dma_start3A_55 = arith.constant 0 : i32
    %dma_start3A_56 = arith.constant 1 : i32
    %dma_start3A_57 = arith.constant 0 : i32
    %dma_start3A_58 = tpu.memref_slice %arg6[%dma_start3A_54, %dma_start3A_55, %dma_start3A_56, %dma_start3A_57] : memref<2x2x2x128xi32, #tpu.memory_space<vmem>> -> memref<1x1x1x128xi32, #tpu.memory_space<vmem>>
    %dma_start3A_59 = tpu.memref_squeeze %dma_start3A_58 : memref<1x1x1x128xi32, #tpu.memory_space<vmem>> -> memref<128xi32, #tpu.memory_space<vmem>>
    %dma_start3A_60 = arith.constant 0 : i32
    %dma_start3A_61 = arith.constant 0 : i32
    %dma_start3A_62 = tpu.memref_slice %arg3[%dma_start3A_60, %dma_start3A_61] : memref<40000x128xf32, #tpu.memory_space<hbm>> -> memref<40000x128xf32, #tpu.memory_space<hbm>>
    tpu.enqueue_indirect_dma source(%dma_start3A_62 : memref<40000x128xf32, #tpu.memory_space<hbm>>) target(%arg8 : memref<128x128xf32, #tpu.memory_space<vmem>>) offsets(%dma_start3A_59 : memref<128xi32, #tpu.memory_space<vmem>>) semaphore(%arg11 : memref<!tpu.dma_semaphore, #tpu.memory_space<semaphore_mem>>)
    %dma_start3A_63 = arith.constant 1 : i32
    %dma_start3A_64 = arith.constant 1 : i32
    %dma_start3A_65 = arith.constant 0 : i32
    %dma_start3A_66 = arith.constant 0 : i32
    %dma_start3A_67 = arith.constant 0 : i32
    %dma_start3A_68 = tpu.memref_slice %arg6[%dma_start3A_64, %dma_start3A_65, %dma_start3A_66, %dma_start3A_67] : memref<2x2x2x128xi32, #tpu.memory_space<vmem>> -> memref<1x2x2x128xi32, #tpu.memory_space<vmem>>
    %dma_start3A_69 = tpu.memref_squeeze %dma_start3A_68 : memref<1x2x2x128xi32, #tpu.memory_space<vmem>> -> memref<2x2x128xi32, #tpu.memory_space<vmem>>
    %dma_start3A_70 = arith.constant 0 : i32
    %dma_start3A_71 = arith.constant 0 : i32
    %dma_start3A_72 = arith.constant 0 : i32
    %dma_start3A_73 = tpu.memref_slice %arg2[%add3A, %dma_start3A_63, %dma_start3A_70, %dma_start3A_71, %dma_start3A_72] : memref<32x40x2x2x128xi32, #tpu.memory_space<hbm>> -> memref<1x1x2x2x128xi32, #tpu.memory_space<hbm>>
    %dma_start3A_74 = tpu.memref_squeeze %dma_start3A_73 : memref<1x1x2x2x128xi32, #tpu.memory_space<hbm>> -> memref<2x2x128xi32, #tpu.memory_space<hbm>>
    %dma_start3A_75 = arith.constant 0 : i32
    %dma_start3A_76 = arith.constant 0 : i32
    %dma_start3A_77 = arith.constant 0 : i32
    %dma_start3A_78 = tpu.memref_slice %arg6[%dma_start3A_64, %dma_start3A_75, %dma_start3A_76, %dma_start3A_77] : memref<2x2x2x128xi32, #tpu.memory_space<vmem>> -> memref<1x2x2x128xi32, #tpu.memory_space<vmem>>
    %dma_start3A_79 = tpu.memref_squeeze %dma_start3A_78 : memref<1x2x2x128xi32, #tpu.memory_space<vmem>> -> memref<2x2x128xi32, #tpu.memory_space<vmem>>
    %dma_start3A_80 = arith.constant 0 : i32
    %dma_start3A_81 = arith.constant 0 : i32
    %dma_start3A_82 = arith.constant 0 : i32
    %dma_start3A_83 = tpu.memref_slice %arg2[%add3A, %dma_start3A_63, %dma_start3A_80, %dma_start3A_81, %dma_start3A_82] : memref<32x40x2x2x128xi32, #tpu.memory_space<hbm>> -> memref<1x1x2x2x128xi32, #tpu.memory_space<hbm>>
    %dma_start3A_84 = tpu.memref_squeeze %dma_start3A_83 : memref<1x1x2x2x128xi32, #tpu.memory_space<hbm>> -> memref<2x2x128xi32, #tpu.memory_space<hbm>>
    tpu.enqueue_dma source(%dma_start3A_84 : memref<2x2x128xi32, #tpu.memory_space<hbm>>) target(%dma_start3A_79 : memref<2x2x128xi32, #tpu.memory_space<vmem>>) target_semaphore(%arg15 : memref<!tpu.dma_semaphore, #tpu.memory_space<semaphore_mem>>)
    %scan3A = arith.constant 0 : i32
    %scan3A_85 = arith.constant 0 : i32
    %scan3A_86 = arith.constant 19 : i32
    %scan3A_87 = arith.addi %scan3A_85, %scan3A_86 : i32
    %scan3A_88 = arith.constant 1 : i32
    scf.for %scan3A_243 = %scan3A_85 to %scan3A_87 step %scan3A_88  : i32 {
      %mul3A_244 = arith.constant 2 : i32
      %mul3A_245 = arith.muli %scan3A_243, %mul3A_244 : i32
      %dma_wait3A_246 = arith.constant 0 : i32
      %dma_wait3A_247 = arith.constant 0 : i32
      %dma_wait3A_248 = arith.constant 0 : i32
      %dma_wait3A_249 = arith.constant 0 : i32
      %dma_wait3A_250 = tpu.memref_slice %arg6[%dma_wait3A_246, %dma_wait3A_247, %dma_wait3A_248, %dma_wait3A_249] : memref<2x2x2x128xi32, #tpu.memory_space<vmem>> -> memref<1x1x1x128xi32, #tpu.memory_space<vmem>>
      %dma_wait3A_251 = tpu.memref_squeeze %dma_wait3A_250 : memref<1x1x1x128xi32, #tpu.memory_space<vmem>> -> memref<128xi32, #tpu.memory_space<vmem>>
      %dma_wait3A_252 = arith.constant 0 : i32
      %dma_wait3A_253 = arith.constant 0 : i32
      %dma_wait3A_254 = tpu.memref_slice %arg3[%dma_wait3A_252, %dma_wait3A_253] : memref<40000x128xf32, #tpu.memory_space<hbm>> -> memref<40000x128xf32, #tpu.memory_space<hbm>>
      tpu.wait_indirect_dma semaphore(%arg10 : memref<!tpu.dma_semaphore, #tpu.memory_space<semaphore_mem>>) src(%dma_wait3A_254 : memref<40000x128xf32, #tpu.memory_space<hbm>>) dst(%arg7 : memref<128x128xf32, #tpu.memory_space<vmem>>)
      %dma_start3A_255 = arith.constant 0 : i32
      %dma_start3A_256 = arith.constant 1 : i32
      %dma_start3A_257 = arith.constant 0 : i32
      %dma_start3A_258 = arith.constant 0 : i32
      %dma_start3A_259 = tpu.memref_slice %arg6[%dma_start3A_255, %dma_start3A_256, %dma_start3A_257, %dma_start3A_258] : memref<2x2x2x128xi32, #tpu.memory_space<vmem>> -> memref<1x1x1x128xi32, #tpu.memory_space<vmem>>
      %dma_start3A_260 = tpu.memref_squeeze %dma_start3A_259 : memref<1x1x1x128xi32, #tpu.memory_space<vmem>> -> memref<128xi32, #tpu.memory_space<vmem>>
      %dma_start3A_261 = arith.constant 0 : i32
      %dma_start3A_262 = arith.constant 0 : i32
      %dma_start3A_263 = tpu.memref_slice %arg9[%dma_start3A_261, %dma_start3A_262] : memref<10112x128xf32, #tpu.memory_space<vmem_shared>> -> memref<10112x128xf32, #tpu.memory_space<vmem_shared>>
      tpu.enqueue_indirect_dma source(%arg7 : memref<128x128xf32, #tpu.memory_space<vmem>>) target(%dma_start3A_263 : memref<10112x128xf32, #tpu.memory_space<vmem_shared>>) offsets(%dma_start3A_260 : memref<128xi32, #tpu.memory_space<vmem>>) semaphore(%arg12 : memref<!tpu.dma_semaphore, #tpu.memory_space<semaphore_mem>>) {add = true}
      %dma_wait3A_264 = arith.constant 0 : i32
      %dma_wait3A_265 = arith.constant 0 : i32
      %dma_wait3A_266 = arith.constant 1 : i32
      %dma_wait3A_267 = arith.constant 0 : i32
      %dma_wait3A_268 = tpu.memref_slice %arg6[%dma_wait3A_264, %dma_wait3A_265, %dma_wait3A_266, %dma_wait3A_267] : memref<2x2x2x128xi32, #tpu.memory_space<vmem>> -> memref<1x1x1x128xi32, #tpu.memory_space<vmem>>
      %dma_wait3A_269 = tpu.memref_squeeze %dma_wait3A_268 : memref<1x1x1x128xi32, #tpu.memory_space<vmem>> -> memref<128xi32, #tpu.memory_space<vmem>>
      %dma_wait3A_270 = arith.constant 0 : i32
      %dma_wait3A_271 = arith.constant 0 : i32
      %dma_wait3A_272 = tpu.memref_slice %arg3[%dma_wait3A_270, %dma_wait3A_271] : memref<40000x128xf32, #tpu.memory_space<hbm>> -> memref<40000x128xf32, #tpu.memory_space<hbm>>
      tpu.wait_indirect_dma semaphore(%arg11 : memref<!tpu.dma_semaphore, #tpu.memory_space<semaphore_mem>>) src(%dma_wait3A_272 : memref<40000x128xf32, #tpu.memory_space<hbm>>) dst(%arg8 : memref<128x128xf32, #tpu.memory_space<vmem>>)
      %dma_start3A_273 = arith.constant 0 : i32
      %dma_start3A_274 = arith.constant 1 : i32
      %dma_start3A_275 = arith.constant 1 : i32
      %dma_start3A_276 = arith.constant 0 : i32
      %dma_start3A_277 = tpu.memref_slice %arg6[%dma_start3A_273, %dma_start3A_274, %dma_start3A_275, %dma_start3A_276] : memref<2x2x2x128xi32, #tpu.memory_space<vmem>> -> memref<1x1x1x128xi32, #tpu.memory_space<vmem>>
      %dma_start3A_278 = tpu.memref_squeeze %dma_start3A_277 : memref<1x1x1x128xi32, #tpu.memory_space<vmem>> -> memref<128xi32, #tpu.memory_space<vmem>>
      %dma_start3A_279 = arith.constant 0 : i32
      %dma_start3A_280 = arith.constant 0 : i32
      %dma_start3A_281 = tpu.memref_slice %arg9[%dma_start3A_279, %dma_start3A_280] : memref<10112x128xf32, #tpu.memory_space<vmem_shared>> -> memref<10112x128xf32, #tpu.memory_space<vmem_shared>>
      tpu.enqueue_indirect_dma source(%arg8 : memref<128x128xf32, #tpu.memory_space<vmem>>) target(%dma_start3A_281 : memref<10112x128xf32, #tpu.memory_space<vmem_shared>>) offsets(%dma_start3A_278 : memref<128xi32, #tpu.memory_space<vmem>>) semaphore(%arg13 : memref<!tpu.dma_semaphore, #tpu.memory_space<semaphore_mem>>) {add = true}
      %dma_wait3A_282 = arith.constant 0 : i32
      %dma_wait3A_283 = arith.constant 1 : i32
      %dma_wait3A_284 = arith.constant 0 : i32
      %dma_wait3A_285 = arith.constant 0 : i32
      %dma_wait3A_286 = arith.constant 0 : i32
      %dma_wait3A_287 = tpu.memref_slice %arg6[%dma_wait3A_283, %dma_wait3A_284, %dma_wait3A_285, %dma_wait3A_286] : memref<2x2x2x128xi32, #tpu.memory_space<vmem>> -> memref<1x2x2x128xi32, #tpu.memory_space<vmem>>
      %dma_wait3A_288 = tpu.memref_squeeze %dma_wait3A_287 : memref<1x2x2x128xi32, #tpu.memory_space<vmem>> -> memref<2x2x128xi32, #tpu.memory_space<vmem>>
      %dma_wait3A_289 = arith.constant 0 : i32
      %dma_wait3A_290 = arith.constant 0 : i32
      %dma_wait3A_291 = arith.constant 0 : i32
      %dma_wait3A_292 = tpu.memref_slice %arg2[%add3A, %dma_wait3A_282, %dma_wait3A_289, %dma_wait3A_290, %dma_wait3A_291] : memref<32x40x2x2x128xi32, #tpu.memory_space<hbm>> -> memref<1x1x2x2x128xi32, #tpu.memory_space<hbm>>
      %dma_wait3A_293 = tpu.memref_squeeze %dma_wait3A_292 : memref<1x1x2x2x128xi32, #tpu.memory_space<hbm>> -> memref<2x2x128xi32, #tpu.memory_space<hbm>>
      %dma_wait3A_294 = arith.constant 0 : i32
      %dma_wait3A_295 = arith.constant 0 : i32
      %dma_wait3A_296 = arith.constant 0 : i32
      %dma_wait3A_297 = tpu.memref_slice %arg6[%dma_wait3A_283, %dma_wait3A_294, %dma_wait3A_295, %dma_wait3A_296] : memref<2x2x2x128xi32, #tpu.memory_space<vmem>> -> memref<1x2x2x128xi32, #tpu.memory_space<vmem>>
      %dma_wait3A_298 = tpu.memref_squeeze %dma_wait3A_297 : memref<1x2x2x128xi32, #tpu.memory_space<vmem>> -> memref<2x2x128xi32, #tpu.memory_space<vmem>>
      %dma_wait3A_299 = arith.constant 0 : i32
      %dma_wait3A_300 = arith.constant 0 : i32
      %dma_wait3A_301 = arith.constant 0 : i32
      %dma_wait3A_302 = tpu.memref_slice %arg2[%add3A, %dma_wait3A_282, %dma_wait3A_299, %dma_wait3A_300, %dma_wait3A_301] : memref<32x40x2x2x128xi32, #tpu.memory_space<hbm>> -> memref<1x1x2x2x128xi32, #tpu.memory_space<hbm>>
      %dma_wait3A_303 = tpu.memref_squeeze %dma_wait3A_302 : memref<1x1x2x2x128xi32, #tpu.memory_space<hbm>> -> memref<2x2x128xi32, #tpu.memory_space<hbm>>
      tpu.wait_dma2 semaphore(%arg15 : memref<!tpu.dma_semaphore, #tpu.memory_space<semaphore_mem>>) src(%dma_wait3A_303 : memref<2x2x128xi32, #tpu.memory_space<hbm>>) dst(%dma_wait3A_298 : memref<2x2x128xi32, #tpu.memory_space<vmem>>)
      %dma_wait3A_304 = arith.constant 0 : i32
      %dma_wait3A_305 = arith.constant 1 : i32
      %dma_wait3A_306 = arith.constant 0 : i32
      %dma_wait3A_307 = arith.constant 0 : i32
      %dma_wait3A_308 = tpu.memref_slice %arg6[%dma_wait3A_304, %dma_wait3A_305, %dma_wait3A_306, %dma_wait3A_307] : memref<2x2x2x128xi32, #tpu.memory_space<vmem>> -> memref<1x1x1x128xi32, #tpu.memory_space<vmem>>
      %dma_wait3A_309 = tpu.memref_squeeze %dma_wait3A_308 : memref<1x1x1x128xi32, #tpu.memory_space<vmem>> -> memref<128xi32, #tpu.memory_space<vmem>>
      %dma_wait3A_310 = arith.constant 0 : i32
      %dma_wait3A_311 = arith.constant 0 : i32
      %dma_wait3A_312 = tpu.memref_slice %arg9[%dma_wait3A_310, %dma_wait3A_311] : memref<10112x128xf32, #tpu.memory_space<vmem_shared>> -> memref<10112x128xf32, #tpu.memory_space<vmem_shared>>
      tpu.wait_indirect_dma semaphore(%arg12 : memref<!tpu.dma_semaphore, #tpu.memory_space<semaphore_mem>>) src(%arg7 : memref<128x128xf32, #tpu.memory_space<vmem>>) dst(%dma_wait3A_312 : memref<10112x128xf32, #tpu.memory_space<vmem_shared>>)
      %dma_start3A_313 = arith.constant 1 : i32
      %dma_start3A_314 = arith.constant 0 : i32
      %dma_start3A_315 = arith.constant 0 : i32
      %dma_start3A_316 = arith.constant 0 : i32
      %dma_start3A_317 = tpu.memref_slice %arg6[%dma_start3A_313, %dma_start3A_314, %dma_start3A_315, %dma_start3A_316] : memref<2x2x2x128xi32, #tpu.memory_space<vmem>> -> memref<1x1x1x128xi32, #tpu.memory_space<vmem>>
      %dma_start3A_318 = tpu.memref_squeeze %dma_start3A_317 : memref<1x1x1x128xi32, #tpu.memory_space<vmem>> -> memref<128xi32, #tpu.memory_space<vmem>>
      %dma_start3A_319 = arith.constant 0 : i32
      %dma_start3A_320 = arith.constant 0 : i32
      %dma_start3A_321 = tpu.memref_slice %arg3[%dma_start3A_319, %dma_start3A_320] : memref<40000x128xf32, #tpu.memory_space<hbm>> -> memref<40000x128xf32, #tpu.memory_space<hbm>>
      tpu.enqueue_indirect_dma source(%dma_start3A_321 : memref<40000x128xf32, #tpu.memory_space<hbm>>) target(%arg7 : memref<128x128xf32, #tpu.memory_space<vmem>>) offsets(%dma_start3A_318 : memref<128xi32, #tpu.memory_space<vmem>>) semaphore(%arg10 : memref<!tpu.dma_semaphore, #tpu.memory_space<semaphore_mem>>)
      %dma_wait3A_322 = arith.constant 0 : i32
      %dma_wait3A_323 = arith.constant 1 : i32
      %dma_wait3A_324 = arith.constant 1 : i32
      %dma_wait3A_325 = arith.constant 0 : i32
      %dma_wait3A_326 = tpu.memref_slice %arg6[%dma_wait3A_322, %dma_wait3A_323, %dma_wait3A_324, %dma_wait3A_325] : memref<2x2x2x128xi32, #tpu.memory_space<vmem>> -> memref<1x1x1x128xi32, #tpu.memory_space<vmem>>
      %dma_wait3A_327 = tpu.memref_squeeze %dma_wait3A_326 : memref<1x1x1x128xi32, #tpu.memory_space<vmem>> -> memref<128xi32, #tpu.memory_space<vmem>>
      %dma_wait3A_328 = arith.constant 0 : i32
      %dma_wait3A_329 = arith.constant 0 : i32
      %dma_wait3A_330 = tpu.memref_slice %arg9[%dma_wait3A_328, %dma_wait3A_329] : memref<10112x128xf32, #tpu.memory_space<vmem_shared>> -> memref<10112x128xf32, #tpu.memory_space<vmem_shared>>
      tpu.wait_indirect_dma semaphore(%arg13 : memref<!tpu.dma_semaphore, #tpu.memory_space<semaphore_mem>>) src(%arg8 : memref<128x128xf32, #tpu.memory_space<vmem>>) dst(%dma_wait3A_330 : memref<10112x128xf32, #tpu.memory_space<vmem_shared>>)
      %dma_start3A_331 = arith.constant 1 : i32
      %dma_start3A_332 = arith.constant 0 : i32
      %dma_start3A_333 = arith.constant 1 : i32
      %dma_start3A_334 = arith.constant 0 : i32
      %dma_start3A_335 = tpu.memref_slice %arg6[%dma_start3A_331, %dma_start3A_332, %dma_start3A_333, %dma_start3A_334] : memref<2x2x2x128xi32, #tpu.memory_space<vmem>> -> memref<1x1x1x128xi32, #tpu.memory_space<vmem>>
      %dma_start3A_336 = tpu.memref_squeeze %dma_start3A_335 : memref<1x1x1x128xi32, #tpu.memory_space<vmem>> -> memref<128xi32, #tpu.memory_space<vmem>>
      %dma_start3A_337 = arith.constant 0 : i32
      %dma_start3A_338 = arith.constant 0 : i32
      %dma_start3A_339 = tpu.memref_slice %arg3[%dma_start3A_337, %dma_start3A_338] : memref<40000x128xf32, #tpu.memory_space<hbm>> -> memref<40000x128xf32, #tpu.memory_space<hbm>>
      tpu.enqueue_indirect_dma source(%dma_start3A_339 : memref<40000x128xf32, #tpu.memory_space<hbm>>) target(%arg8 : memref<128x128xf32, #tpu.memory_space<vmem>>) offsets(%dma_start3A_336 : memref<128xi32, #tpu.memory_space<vmem>>) semaphore(%arg11 : memref<!tpu.dma_semaphore, #tpu.memory_space<semaphore_mem>>)
      %add3A_340 = arith.constant 2 : i32
      %add3A_341 = arith.addi %mul3A_245, %add3A_340 : i32
      %dma_start3A_342 = arith.constant 0 : i32
      %dma_start3A_343 = arith.constant 0 : i32
      %dma_start3A_344 = arith.constant 0 : i32
      %dma_start3A_345 = arith.constant 0 : i32
      %dma_start3A_346 = tpu.memref_slice %arg6[%dma_start3A_342, %dma_start3A_343, %dma_start3A_344, %dma_start3A_345] : memref<2x2x2x128xi32, #tpu.memory_space<vmem>> -> memref<1x2x2x128xi32, #tpu.memory_space<vmem>>
      %dma_start3A_347 = tpu.memref_squeeze %dma_start3A_346 : memref<1x2x2x128xi32, #tpu.memory_space<vmem>> -> memref<2x2x128xi32, #tpu.memory_space<vmem>>
      %dma_start3A_348 = arith.constant 0 : i32
      %dma_start3A_349 = arith.constant 0 : i32
      %dma_start3A_350 = arith.constant 0 : i32
      %dma_start3A_351 = tpu.memref_slice %arg2[%add3A, %add3A_341, %dma_start3A_348, %dma_start3A_349, %dma_start3A_350] : memref<32x40x2x2x128xi32, #tpu.memory_space<hbm>> -> memref<1x1x2x2x128xi32, #tpu.memory_space<hbm>>
      %dma_start3A_352 = tpu.memref_squeeze %dma_start3A_351 : memref<1x1x2x2x128xi32, #tpu.memory_space<hbm>> -> memref<2x2x128xi32, #tpu.memory_space<hbm>>
      %dma_start3A_353 = arith.constant 0 : i32
      %dma_start3A_354 = arith.constant 0 : i32
      %dma_start3A_355 = arith.constant 0 : i32
      %dma_start3A_356 = tpu.memref_slice %arg6[%dma_start3A_342, %dma_start3A_353, %dma_start3A_354, %dma_start3A_355] : memref<2x2x2x128xi32, #tpu.memory_space<vmem>> -> memref<1x2x2x128xi32, #tpu.memory_space<vmem>>
      %dma_start3A_357 = tpu.memref_squeeze %dma_start3A_356 : memref<1x2x2x128xi32, #tpu.memory_space<vmem>> -> memref<2x2x128xi32, #tpu.memory_space<vmem>>
      %dma_start3A_358 = arith.constant 0 : i32
      %dma_start3A_359 = arith.constant 0 : i32
      %dma_start3A_360 = arith.constant 0 : i32
      %dma_start3A_361 = tpu.memref_slice %arg2[%add3A, %add3A_341, %dma_start3A_358, %dma_start3A_359, %dma_start3A_360] : memref<32x40x2x2x128xi32, #tpu.memory_space<hbm>> -> memref<1x1x2x2x128xi32, #tpu.memory_space<hbm>>
      %dma_start3A_362 = tpu.memref_squeeze %dma_start3A_361 : memref<1x1x2x2x128xi32, #tpu.memory_space<hbm>> -> memref<2x2x128xi32, #tpu.memory_space<hbm>>
      tpu.enqueue_dma source(%dma_start3A_362 : memref<2x2x128xi32, #tpu.memory_space<hbm>>) target(%dma_start3A_357 : memref<2x2x128xi32, #tpu.memory_space<vmem>>) target_semaphore(%arg14 : memref<!tpu.dma_semaphore, #tpu.memory_space<semaphore_mem>>)
      %add3A_363 = arith.constant 1 : i32
      %add3A_364 = arith.addi %mul3A_245, %add3A_363 : i32
      %dma_wait3A_365 = arith.constant 1 : i32
      %dma_wait3A_366 = arith.constant 0 : i32
      %dma_wait3A_367 = arith.constant 0 : i32
      %dma_wait3A_368 = arith.constant 0 : i32
      %dma_wait3A_369 = tpu.memref_slice %arg6[%dma_wait3A_365, %dma_wait3A_366, %dma_wait3A_367, %dma_wait3A_368] : memref<2x2x2x128xi32, #tpu.memory_space<vmem>> -> memref<1x1x1x128xi32, #tpu.memory_space<vmem>>
      %dma_wait3A_370 = tpu.memref_squeeze %dma_wait3A_369 : memref<1x1x1x128xi32, #tpu.memory_space<vmem>> -> memref<128xi32, #tpu.memory_space<vmem>>
      %dma_wait3A_371 = arith.constant 0 : i32
      %dma_wait3A_372 = arith.constant 0 : i32
      %dma_wait3A_373 = tpu.memref_slice %arg3[%dma_wait3A_371, %dma_wait3A_372] : memref<40000x128xf32, #tpu.memory_space<hbm>> -> memref<40000x128xf32, #tpu.memory_space<hbm>>
      tpu.wait_indirect_dma semaphore(%arg10 : memref<!tpu.dma_semaphore, #tpu.memory_space<semaphore_mem>>) src(%dma_wait3A_373 : memref<40000x128xf32, #tpu.memory_space<hbm>>) dst(%arg7 : memref<128x128xf32, #tpu.memory_space<vmem>>)
      %dma_start3A_374 = arith.constant 1 : i32
      %dma_start3A_375 = arith.constant 1 : i32
      %dma_start3A_376 = arith.constant 0 : i32
      %dma_start3A_377 = arith.constant 0 : i32
      %dma_start3A_378 = tpu.memref_slice %arg6[%dma_start3A_374, %dma_start3A_375, %dma_start3A_376, %dma_start3A_377] : memref<2x2x2x128xi32, #tpu.memory_space<vmem>> -> memref<1x1x1x128xi32, #tpu.memory_space<vmem>>
      %dma_start3A_379 = tpu.memref_squeeze %dma_start3A_378 : memref<1x1x1x128xi32, #tpu.memory_space<vmem>> -> memref<128xi32, #tpu.memory_space<vmem>>
      %dma_start3A_380 = arith.constant 0 : i32
      %dma_start3A_381 = arith.constant 0 : i32
      %dma_start3A_382 = tpu.memref_slice %arg9[%dma_start3A_380, %dma_start3A_381] : memref<10112x128xf32, #tpu.memory_space<vmem_shared>> -> memref<10112x128xf32, #tpu.memory_space<vmem_shared>>
      tpu.enqueue_indirect_dma source(%arg7 : memref<128x128xf32, #tpu.memory_space<vmem>>) target(%dma_start3A_382 : memref<10112x128xf32, #tpu.memory_space<vmem_shared>>) offsets(%dma_start3A_379 : memref<128xi32, #tpu.memory_space<vmem>>) semaphore(%arg12 : memref<!tpu.dma_semaphore, #tpu.memory_space<semaphore_mem>>) {add = true}
      %dma_wait3A_383 = arith.constant 1 : i32
      %dma_wait3A_384 = arith.constant 0 : i32
      %dma_wait3A_385 = arith.constant 1 : i32
      %dma_wait3A_386 = arith.constant 0 : i32
      %dma_wait3A_387 = tpu.memref_slice %arg6[%dma_wait3A_383, %dma_wait3A_384, %dma_wait3A_385, %dma_wait3A_386] : memref<2x2x2x128xi32, #tpu.memory_space<vmem>> -> memref<1x1x1x128xi32, #tpu.memory_space<vmem>>
      %dma_wait3A_388 = tpu.memref_squeeze %dma_wait3A_387 : memref<1x1x1x128xi32, #tpu.memory_space<vmem>> -> memref<128xi32, #tpu.memory_space<vmem>>
      %dma_wait3A_389 = arith.constant 0 : i32
      %dma_wait3A_390 = arith.constant 0 : i32
      %dma_wait3A_391 = tpu.memref_slice %arg3[%dma_wait3A_389, %dma_wait3A_390] : memref<40000x128xf32, #tpu.memory_space<hbm>> -> memref<40000x128xf32, #tpu.memory_space<hbm>>
      tpu.wait_indirect_dma semaphore(%arg11 : memref<!tpu.dma_semaphore, #tpu.memory_space<semaphore_mem>>) src(%dma_wait3A_391 : memref<40000x128xf32, #tpu.memory_space<hbm>>) dst(%arg8 : memref<128x128xf32, #tpu.memory_space<vmem>>)
      %dma_start3A_392 = arith.constant 1 : i32
      %dma_start3A_393 = arith.constant 1 : i32
      %dma_start3A_394 = arith.constant 1 : i32
      %dma_start3A_395 = arith.constant 0 : i32
      %dma_start3A_396 = tpu.memref_slice %arg6[%dma_start3A_392, %dma_start3A_393, %dma_start3A_394, %dma_start3A_395] : memref<2x2x2x128xi32, #tpu.memory_space<vmem>> -> memref<1x1x1x128xi32, #tpu.memory_space<vmem>>
      %dma_start3A_397 = tpu.memref_squeeze %dma_start3A_396 : memref<1x1x1x128xi32, #tpu.memory_space<vmem>> -> memref<128xi32, #tpu.memory_space<vmem>>
      %dma_start3A_398 = arith.constant 0 : i32
      %dma_start3A_399 = arith.constant 0 : i32
      %dma_start3A_400 = tpu.memref_slice %arg9[%dma_start3A_398, %dma_start3A_399] : memref<10112x128xf32, #tpu.memory_space<vmem_shared>> -> memref<10112x128xf32, #tpu.memory_space<vmem_shared>>
      tpu.enqueue_indirect_dma source(%arg8 : memref<128x128xf32, #tpu.memory_space<vmem>>) target(%dma_start3A_400 : memref<10112x128xf32, #tpu.memory_space<vmem_shared>>) offsets(%dma_start3A_397 : memref<128xi32, #tpu.memory_space<vmem>>) semaphore(%arg13 : memref<!tpu.dma_semaphore, #tpu.memory_space<semaphore_mem>>) {add = true}
      %dma_wait3A_401 = arith.constant 0 : i32
      %dma_wait3A_402 = arith.constant 0 : i32
      %dma_wait3A_403 = arith.constant 0 : i32
      %dma_wait3A_404 = arith.constant 0 : i32
      %dma_wait3A_405 = arith.constant 0 : i32
      %dma_wait3A_406 = tpu.memref_slice %arg6[%dma_wait3A_402, %dma_wait3A_403, %dma_wait3A_404, %dma_wait3A_405] : memref<2x2x2x128xi32, #tpu.memory_space<vmem>> -> memref<1x2x2x128xi32, #tpu.memory_space<vmem>>
      %dma_wait3A_407 = tpu.memref_squeeze %dma_wait3A_406 : memref<1x2x2x128xi32, #tpu.memory_space<vmem>> -> memref<2x2x128xi32, #tpu.memory_space<vmem>>
      %dma_wait3A_408 = arith.constant 0 : i32
      %dma_wait3A_409 = arith.constant 0 : i32
      %dma_wait3A_410 = arith.constant 0 : i32
      %dma_wait3A_411 = tpu.memref_slice %arg2[%add3A, %dma_wait3A_401, %dma_wait3A_408, %dma_wait3A_409, %dma_wait3A_410] : memref<32x40x2x2x128xi32, #tpu.memory_space<hbm>> -> memref<1x1x2x2x128xi32, #tpu.memory_space<hbm>>
      %dma_wait3A_412 = tpu.memref_squeeze %dma_wait3A_411 : memref<1x1x2x2x128xi32, #tpu.memory_space<hbm>> -> memref<2x2x128xi32, #tpu.memory_space<hbm>>
      %dma_wait3A_413 = arith.constant 0 : i32
      %dma_wait3A_414 = arith.constant 0 : i32
      %dma_wait3A_415 = arith.constant 0 : i32
      %dma_wait3A_416 = tpu.memref_slice %arg6[%dma_wait3A_402, %dma_wait3A_413, %dma_wait3A_414, %dma_wait3A_415] : memref<2x2x2x128xi32, #tpu.memory_space<vmem>> -> memref<1x2x2x128xi32, #tpu.memory_space<vmem>>
      %dma_wait3A_417 = tpu.memref_squeeze %dma_wait3A_416 : memref<1x2x2x128xi32, #tpu.memory_space<vmem>> -> memref<2x2x128xi32, #tpu.memory_space<vmem>>
      %dma_wait3A_418 = arith.constant 0 : i32
      %dma_wait3A_419 = arith.constant 0 : i32
      %dma_wait3A_420 = arith.constant 0 : i32
      %dma_wait3A_421 = tpu.memref_slice %arg2[%add3A, %dma_wait3A_401, %dma_wait3A_418, %dma_wait3A_419, %dma_wait3A_420] : memref<32x40x2x2x128xi32, #tpu.memory_space<hbm>> -> memref<1x1x2x2x128xi32, #tpu.memory_space<hbm>>
      %dma_wait3A_422 = tpu.memref_squeeze %dma_wait3A_421 : memref<1x1x2x2x128xi32, #tpu.memory_space<hbm>> -> memref<2x2x128xi32, #tpu.memory_space<hbm>>
      tpu.wait_dma2 semaphore(%arg14 : memref<!tpu.dma_semaphore, #tpu.memory_space<semaphore_mem>>) src(%dma_wait3A_422 : memref<2x2x128xi32, #tpu.memory_space<hbm>>) dst(%dma_wait3A_417 : memref<2x2x128xi32, #tpu.memory_space<vmem>>)
      %dma_wait3A_423 = arith.constant 1 : i32
      %dma_wait3A_424 = arith.constant 1 : i32
      %dma_wait3A_425 = arith.constant 0 : i32
      %dma_wait3A_426 = arith.constant 0 : i32
      %dma_wait3A_427 = tpu.memref_slice %arg6[%dma_wait3A_423, %dma_wait3A_424, %dma_wait3A_425, %dma_wait3A_426] : memref<2x2x2x128xi32, #tpu.memory_space<vmem>> -> memref<1x1x1x128xi32, #tpu.memory_space<vmem>>
      %dma_wait3A_428 = tpu.memref_squeeze %dma_wait3A_427 : memref<1x1x1x128xi32, #tpu.memory_space<vmem>> -> memref<128xi32, #tpu.memory_space<vmem>>
      %dma_wait3A_429 = arith.constant 0 : i32
      %dma_wait3A_430 = arith.constant 0 : i32
      %dma_wait3A_431 = tpu.memref_slice %arg9[%dma_wait3A_429, %dma_wait3A_430] : memref<10112x128xf32, #tpu.memory_space<vmem_shared>> -> memref<10112x128xf32, #tpu.memory_space<vmem_shared>>
      tpu.wait_indirect_dma semaphore(%arg12 : memref<!tpu.dma_semaphore, #tpu.memory_space<semaphore_mem>>) src(%arg7 : memref<128x128xf32, #tpu.memory_space<vmem>>) dst(%dma_wait3A_431 : memref<10112x128xf32, #tpu.memory_space<vmem_shared>>)
      %dma_start3A_432 = arith.constant 0 : i32
      %dma_start3A_433 = arith.constant 0 : i32
      %dma_start3A_434 = arith.constant 0 : i32
      %dma_start3A_435 = arith.constant 0 : i32
      %dma_start3A_436 = tpu.memref_slice %arg6[%dma_start3A_432, %dma_start3A_433, %dma_start3A_434, %dma_start3A_435] : memref<2x2x2x128xi32, #tpu.memory_space<vmem>> -> memref<1x1x1x128xi32, #tpu.memory_space<vmem>>
      %dma_start3A_437 = tpu.memref_squeeze %dma_start3A_436 : memref<1x1x1x128xi32, #tpu.memory_space<vmem>> -> memref<128xi32, #tpu.memory_space<vmem>>
      %dma_start3A_438 = arith.constant 0 : i32
      %dma_start3A_439 = arith.constant 0 : i32
      %dma_start3A_440 = tpu.memref_slice %arg3[%dma_start3A_438, %dma_start3A_439] : memref<40000x128xf32, #tpu.memory_space<hbm>> -> memref<40000x128xf32, #tpu.memory_space<hbm>>
      tpu.enqueue_indirect_dma source(%dma_start3A_440 : memref<40000x128xf32, #tpu.memory_space<hbm>>) target(%arg7 : memref<128x128xf32, #tpu.memory_space<vmem>>) offsets(%dma_start3A_437 : memref<128xi32, #tpu.memory_space<vmem>>) semaphore(%arg10 : memref<!tpu.dma_semaphore, #tpu.memory_space<semaphore_mem>>)
      %dma_wait3A_441 = arith.constant 1 : i32
      %dma_wait3A_442 = arith.constant 1 : i32
      %dma_wait3A_443 = arith.constant 1 : i32
      %dma_wait3A_444 = arith.constant 0 : i32
      %dma_wait3A_445 = tpu.memref_slice %arg6[%dma_wait3A_441, %dma_wait3A_442, %dma_wait3A_443, %dma_wait3A_444] : memref<2x2x2x128xi32, #tpu.memory_space<vmem>> -> memref<1x1x1x128xi32, #tpu.memory_space<vmem>>
      %dma_wait3A_446 = tpu.memref_squeeze %dma_wait3A_445 : memref<1x1x1x128xi32, #tpu.memory_space<vmem>> -> memref<128xi32, #tpu.memory_space<vmem>>
      %dma_wait3A_447 = arith.constant 0 : i32
      %dma_wait3A_448 = arith.constant 0 : i32
      %dma_wait3A_449 = tpu.memref_slice %arg9[%dma_wait3A_447, %dma_wait3A_448] : memref<10112x128xf32, #tpu.memory_space<vmem_shared>> -> memref<10112x128xf32, #tpu.memory_space<vmem_shared>>
      tpu.wait_indirect_dma semaphore(%arg13 : memref<!tpu.dma_semaphore, #tpu.memory_space<semaphore_mem>>) src(%arg8 : memref<128x128xf32, #tpu.memory_space<vmem>>) dst(%dma_wait3A_449 : memref<10112x128xf32, #tpu.memory_space<vmem_shared>>)
      %dma_start3A_450 = arith.constant 0 : i32
      %dma_start3A_451 = arith.constant 0 : i32
      %dma_start3A_452 = arith.constant 1 : i32
      %dma_start3A_453 = arith.constant 0 : i32
      %dma_start3A_454 = tpu.memref_slice %arg6[%dma_start3A_450, %dma_start3A_451, %dma_start3A_452, %dma_start3A_453] : memref<2x2x2x128xi32, #tpu.memory_space<vmem>> -> memref<1x1x1x128xi32, #tpu.memory_space<vmem>>
      %dma_start3A_455 = tpu.memref_squeeze %dma_start3A_454 : memref<1x1x1x128xi32, #tpu.memory_space<vmem>> -> memref<128xi32, #tpu.memory_space<vmem>>
      %dma_start3A_456 = arith.constant 0 : i32
      %dma_start3A_457 = arith.constant 0 : i32
      %dma_start3A_458 = tpu.memref_slice %arg3[%dma_start3A_456, %dma_start3A_457] : memref<40000x128xf32, #tpu.memory_space<hbm>> -> memref<40000x128xf32, #tpu.memory_space<hbm>>
      tpu.enqueue_indirect_dma source(%dma_start3A_458 : memref<40000x128xf32, #tpu.memory_space<hbm>>) target(%arg8 : memref<128x128xf32, #tpu.memory_space<vmem>>) offsets(%dma_start3A_455 : memref<128xi32, #tpu.memory_space<vmem>>) semaphore(%arg11 : memref<!tpu.dma_semaphore, #tpu.memory_space<semaphore_mem>>)
      %add3A_459 = arith.constant 2 : i32
      %add3A_460 = arith.addi %add3A_364, %add3A_459 : i32
      %dma_start3A_461 = arith.constant 1 : i32
      %dma_start3A_462 = arith.constant 0 : i32
      %dma_start3A_463 = arith.constant 0 : i32
      %dma_start3A_464 = arith.constant 0 : i32
      %dma_start3A_465 = tpu.memref_slice %arg6[%dma_start3A_461, %dma_start3A_462, %dma_start3A_463, %dma_start3A_464] : memref<2x2x2x128xi32, #tpu.memory_space<vmem>> -> memref<1x2x2x128xi32, #tpu.memory_space<vmem>>
      %dma_start3A_466 = tpu.memref_squeeze %dma_start3A_465 : memref<1x2x2x128xi32, #tpu.memory_space<vmem>> -> memref<2x2x128xi32, #tpu.memory_space<vmem>>
      %dma_start3A_467 = arith.constant 0 : i32
      %dma_start3A_468 = arith.constant 0 : i32
      %dma_start3A_469 = arith.constant 0 : i32
      %dma_start3A_470 = tpu.memref_slice %arg2[%add3A, %add3A_460, %dma_start3A_467, %dma_start3A_468, %dma_start3A_469] : memref<32x40x2x2x128xi32, #tpu.memory_space<hbm>> -> memref<1x1x2x2x128xi32, #tpu.memory_space<hbm>>
      %dma_start3A_471 = tpu.memref_squeeze %dma_start3A_470 : memref<1x1x2x2x128xi32, #tpu.memory_space<hbm>> -> memref<2x2x128xi32, #tpu.memory_space<hbm>>
      %dma_start3A_472 = arith.constant 0 : i32
      %dma_start3A_473 = arith.constant 0 : i32
      %dma_start3A_474 = arith.constant 0 : i32
      %dma_start3A_475 = tpu.memref_slice %arg6[%dma_start3A_461, %dma_start3A_472, %dma_start3A_473, %dma_start3A_474] : memref<2x2x2x128xi32, #tpu.memory_space<vmem>> -> memref<1x2x2x128xi32, #tpu.memory_space<vmem>>
      %dma_start3A_476 = tpu.memref_squeeze %dma_start3A_475 : memref<1x2x2x128xi32, #tpu.memory_space<vmem>> -> memref<2x2x128xi32, #tpu.memory_space<vmem>>
      %dma_start3A_477 = arith.constant 0 : i32
      %dma_start3A_478 = arith.constant 0 : i32
      %dma_start3A_479 = arith.constant 0 : i32
      %dma_start3A_480 = tpu.memref_slice %arg2[%add3A, %add3A_460, %dma_start3A_477, %dma_start3A_478, %dma_start3A_479] : memref<32x40x2x2x128xi32, #tpu.memory_space<hbm>> -> memref<1x1x2x2x128xi32, #tpu.memory_space<hbm>>
      %dma_start3A_481 = tpu.memref_squeeze %dma_start3A_480 : memref<1x1x2x2x128xi32, #tpu.memory_space<hbm>> -> memref<2x2x128xi32, #tpu.memory_space<hbm>>
      tpu.enqueue_dma source(%dma_start3A_481 : memref<2x2x128xi32, #tpu.memory_space<hbm>>) target(%dma_start3A_476 : memref<2x2x128xi32, #tpu.memory_space<vmem>>) target_semaphore(%arg15 : memref<!tpu.dma_semaphore, #tpu.memory_space<semaphore_mem>>)
    }
    %scan3A_89 = arith.constant 19 : i32
    %dma_wait3A_90 = arith.constant 0 : i32
    %dma_wait3A_91 = arith.constant 0 : i32
    %dma_wait3A_92 = arith.constant 0 : i32
    %dma_wait3A_93 = arith.constant 0 : i32
    %dma_wait3A_94 = tpu.memref_slice %arg6[%dma_wait3A_90, %dma_wait3A_91, %dma_wait3A_92, %dma_wait3A_93] : memref<2x2x2x128xi32, #tpu.memory_space<vmem>> -> memref<1x1x1x128xi32, #tpu.memory_space<vmem>>
    %dma_wait3A_95 = tpu.memref_squeeze %dma_wait3A_94 : memref<1x1x1x128xi32, #tpu.memory_space<vmem>> -> memref<128xi32, #tpu.memory_space<vmem>>
    %dma_wait3A_96 = arith.constant 0 : i32
    %dma_wait3A_97 = arith.constant 0 : i32
    %dma_wait3A_98 = tpu.memref_slice %arg3[%dma_wait3A_96, %dma_wait3A_97] : memref<40000x128xf32, #tpu.memory_space<hbm>> -> memref<40000x128xf32, #tpu.memory_space<hbm>>
    tpu.wait_indirect_dma semaphore(%arg10 : memref<!tpu.dma_semaphore, #tpu.memory_space<semaphore_mem>>) src(%dma_wait3A_98 : memref<40000x128xf32, #tpu.memory_space<hbm>>) dst(%arg7 : memref<128x128xf32, #tpu.memory_space<vmem>>)
    %dma_start3A_99 = arith.constant 0 : i32
    %dma_start3A_100 = arith.constant 1 : i32
    %dma_start3A_101 = arith.constant 0 : i32
    %dma_start3A_102 = arith.constant 0 : i32
    %dma_start3A_103 = tpu.memref_slice %arg6[%dma_start3A_99, %dma_start3A_100, %dma_start3A_101, %dma_start3A_102] : memref<2x2x2x128xi32, #tpu.memory_space<vmem>> -> memref<1x1x1x128xi32, #tpu.memory_space<vmem>>
    %dma_start3A_104 = tpu.memref_squeeze %dma_start3A_103 : memref<1x1x1x128xi32, #tpu.memory_space<vmem>> -> memref<128xi32, #tpu.memory_space<vmem>>
    %dma_start3A_105 = arith.constant 0 : i32
    %dma_start3A_106 = arith.constant 0 : i32
    %dma_start3A_107 = tpu.memref_slice %arg9[%dma_start3A_105, %dma_start3A_106] : memref<10112x128xf32, #tpu.memory_space<vmem_shared>> -> memref<10112x128xf32, #tpu.memory_space<vmem_shared>>
    tpu.enqueue_indirect_dma source(%arg7 : memref<128x128xf32, #tpu.memory_space<vmem>>) target(%dma_start3A_107 : memref<10112x128xf32, #tpu.memory_space<vmem_shared>>) offsets(%dma_start3A_104 : memref<128xi32, #tpu.memory_space<vmem>>) semaphore(%arg12 : memref<!tpu.dma_semaphore, #tpu.memory_space<semaphore_mem>>) {add = true}
    %dma_wait3A_108 = arith.constant 0 : i32
    %dma_wait3A_109 = arith.constant 0 : i32
    %dma_wait3A_110 = arith.constant 1 : i32
    %dma_wait3A_111 = arith.constant 0 : i32
    %dma_wait3A_112 = tpu.memref_slice %arg6[%dma_wait3A_108, %dma_wait3A_109, %dma_wait3A_110, %dma_wait3A_111] : memref<2x2x2x128xi32, #tpu.memory_space<vmem>> -> memref<1x1x1x128xi32, #tpu.memory_space<vmem>>
    %dma_wait3A_113 = tpu.memref_squeeze %dma_wait3A_112 : memref<1x1x1x128xi32, #tpu.memory_space<vmem>> -> memref<128xi32, #tpu.memory_space<vmem>>
    %dma_wait3A_114 = arith.constant 0 : i32
    %dma_wait3A_115 = arith.constant 0 : i32
    %dma_wait3A_116 = tpu.memref_slice %arg3[%dma_wait3A_114, %dma_wait3A_115] : memref<40000x128xf32, #tpu.memory_space<hbm>> -> memref<40000x128xf32, #tpu.memory_space<hbm>>
    tpu.wait_indirect_dma semaphore(%arg11 : memref<!tpu.dma_semaphore, #tpu.memory_space<semaphore_mem>>) src(%dma_wait3A_116 : memref<40000x128xf32, #tpu.memory_space<hbm>>) dst(%arg8 : memref<128x128xf32, #tpu.memory_space<vmem>>)
    %dma_start3A_117 = arith.constant 0 : i32
    %dma_start3A_118 = arith.constant 1 : i32
    %dma_start3A_119 = arith.constant 1 : i32
    %dma_start3A_120 = arith.constant 0 : i32
    %dma_start3A_121 = tpu.memref_slice %arg6[%dma_start3A_117, %dma_start3A_118, %dma_start3A_119, %dma_start3A_120] : memref<2x2x2x128xi32, #tpu.memory_space<vmem>> -> memref<1x1x1x128xi32, #tpu.memory_space<vmem>>
    %dma_start3A_122 = tpu.memref_squeeze %dma_start3A_121 : memref<1x1x1x128xi32, #tpu.memory_space<vmem>> -> memref<128xi32, #tpu.memory_space<vmem>>
    %dma_start3A_123 = arith.constant 0 : i32
    %dma_start3A_124 = arith.constant 0 : i32
    %dma_start3A_125 = tpu.memref_slice %arg9[%dma_start3A_123, %dma_start3A_124] : memref<10112x128xf32, #tpu.memory_space<vmem_shared>> -> memref<10112x128xf32, #tpu.memory_space<vmem_shared>>
    tpu.enqueue_indirect_dma source(%arg8 : memref<128x128xf32, #tpu.memory_space<vmem>>) target(%dma_start3A_125 : memref<10112x128xf32, #tpu.memory_space<vmem_shared>>) offsets(%dma_start3A_122 : memref<128xi32, #tpu.memory_space<vmem>>) semaphore(%arg13 : memref<!tpu.dma_semaphore, #tpu.memory_space<semaphore_mem>>) {add = true}
    %dma_wait3A_126 = arith.constant 0 : i32
    %dma_wait3A_127 = arith.constant 1 : i32
    %dma_wait3A_128 = arith.constant 0 : i32
    %dma_wait3A_129 = arith.constant 0 : i32
    %dma_wait3A_130 = arith.constant 0 : i32
    %dma_wait3A_131 = tpu.memref_slice %arg6[%dma_wait3A_127, %dma_wait3A_128, %dma_wait3A_129, %dma_wait3A_130] : memref<2x2x2x128xi32, #tpu.memory_space<vmem>> -> memref<1x2x2x128xi32, #tpu.memory_space<vmem>>
    %dma_wait3A_132 = tpu.memref_squeeze %dma_wait3A_131 : memref<1x2x2x128xi32, #tpu.memory_space<vmem>> -> memref<2x2x128xi32, #tpu.memory_space<vmem>>
    %dma_wait3A_133 = arith.constant 0 : i32
    %dma_wait3A_134 = arith.constant 0 : i32
    %dma_wait3A_135 = arith.constant 0 : i32
    %dma_wait3A_136 = tpu.memref_slice %arg2[%add3A, %dma_wait3A_126, %dma_wait3A_133, %dma_wait3A_134, %dma_wait3A_135] : memref<32x40x2x2x128xi32, #tpu.memory_space<hbm>> -> memref<1x1x2x2x128xi32, #tpu.memory_space<hbm>>
    %dma_wait3A_137 = tpu.memref_squeeze %dma_wait3A_136 : memref<1x1x2x2x128xi32, #tpu.memory_space<hbm>> -> memref<2x2x128xi32, #tpu.memory_space<hbm>>
    %dma_wait3A_138 = arith.constant 0 : i32
    %dma_wait3A_139 = arith.constant 0 : i32
    %dma_wait3A_140 = arith.constant 0 : i32
    %dma_wait3A_141 = tpu.memref_slice %arg6[%dma_wait3A_127, %dma_wait3A_138, %dma_wait3A_139, %dma_wait3A_140] : memref<2x2x2x128xi32, #tpu.memory_space<vmem>> -> memref<1x2x2x128xi32, #tpu.memory_space<vmem>>
    %dma_wait3A_142 = tpu.memref_squeeze %dma_wait3A_141 : memref<1x2x2x128xi32, #tpu.memory_space<vmem>> -> memref<2x2x128xi32, #tpu.memory_space<vmem>>
    %dma_wait3A_143 = arith.constant 0 : i32
    %dma_wait3A_144 = arith.constant 0 : i32
    %dma_wait3A_145 = arith.constant 0 : i32
    %dma_wait3A_146 = tpu.memref_slice %arg2[%add3A, %dma_wait3A_126, %dma_wait3A_143, %dma_wait3A_144, %dma_wait3A_145] : memref<32x40x2x2x128xi32, #tpu.memory_space<hbm>> -> memref<1x1x2x2x128xi32, #tpu.memory_space<hbm>>
    %dma_wait3A_147 = tpu.memref_squeeze %dma_wait3A_146 : memref<1x1x2x2x128xi32, #tpu.memory_space<hbm>> -> memref<2x2x128xi32, #tpu.memory_space<hbm>>
    tpu.wait_dma2 semaphore(%arg15 : memref<!tpu.dma_semaphore, #tpu.memory_space<semaphore_mem>>) src(%dma_wait3A_147 : memref<2x2x128xi32, #tpu.memory_space<hbm>>) dst(%dma_wait3A_142 : memref<2x2x128xi32, #tpu.memory_space<vmem>>)
    %dma_wait3A_148 = arith.constant 0 : i32
    %dma_wait3A_149 = arith.constant 1 : i32
    %dma_wait3A_150 = arith.constant 0 : i32
    %dma_wait3A_151 = arith.constant 0 : i32
    %dma_wait3A_152 = tpu.memref_slice %arg6[%dma_wait3A_148, %dma_wait3A_149, %dma_wait3A_150, %dma_wait3A_151] : memref<2x2x2x128xi32, #tpu.memory_space<vmem>> -> memref<1x1x1x128xi32, #tpu.memory_space<vmem>>
    %dma_wait3A_153 = tpu.memref_squeeze %dma_wait3A_152 : memref<1x1x1x128xi32, #tpu.memory_space<vmem>> -> memref<128xi32, #tpu.memory_space<vmem>>
    %dma_wait3A_154 = arith.constant 0 : i32
    %dma_wait3A_155 = arith.constant 0 : i32
    %dma_wait3A_156 = tpu.memref_slice %arg9[%dma_wait3A_154, %dma_wait3A_155] : memref<10112x128xf32, #tpu.memory_space<vmem_shared>> -> memref<10112x128xf32, #tpu.memory_space<vmem_shared>>
    tpu.wait_indirect_dma semaphore(%arg12 : memref<!tpu.dma_semaphore, #tpu.memory_space<semaphore_mem>>) src(%arg7 : memref<128x128xf32, #tpu.memory_space<vmem>>) dst(%dma_wait3A_156 : memref<10112x128xf32, #tpu.memory_space<vmem_shared>>)
    %dma_start3A_157 = arith.constant 1 : i32
    %dma_start3A_158 = arith.constant 0 : i32
    %dma_start3A_159 = arith.constant 0 : i32
    %dma_start3A_160 = arith.constant 0 : i32
    %dma_start3A_161 = tpu.memref_slice %arg6[%dma_start3A_157, %dma_start3A_158, %dma_start3A_159, %dma_start3A_160] : memref<2x2x2x128xi32, #tpu.memory_space<vmem>> -> memref<1x1x1x128xi32, #tpu.memory_space<vmem>>
    %dma_start3A_162 = tpu.memref_squeeze %dma_start3A_161 : memref<1x1x1x128xi32, #tpu.memory_space<vmem>> -> memref<128xi32, #tpu.memory_space<vmem>>
    %dma_start3A_163 = arith.constant 0 : i32
    %dma_start3A_164 = arith.constant 0 : i32
    %dma_start3A_165 = tpu.memref_slice %arg3[%dma_start3A_163, %dma_start3A_164] : memref<40000x128xf32, #tpu.memory_space<hbm>> -> memref<40000x128xf32, #tpu.memory_space<hbm>>
    tpu.enqueue_indirect_dma source(%dma_start3A_165 : memref<40000x128xf32, #tpu.memory_space<hbm>>) target(%arg7 : memref<128x128xf32, #tpu.memory_space<vmem>>) offsets(%dma_start3A_162 : memref<128xi32, #tpu.memory_space<vmem>>) semaphore(%arg10 : memref<!tpu.dma_semaphore, #tpu.memory_space<semaphore_mem>>)
    %dma_wait3A_166 = arith.constant 0 : i32
    %dma_wait3A_167 = arith.constant 1 : i32
    %dma_wait3A_168 = arith.constant 1 : i32
    %dma_wait3A_169 = arith.constant 0 : i32
    %dma_wait3A_170 = tpu.memref_slice %arg6[%dma_wait3A_166, %dma_wait3A_167, %dma_wait3A_168, %dma_wait3A_169] : memref<2x2x2x128xi32, #tpu.memory_space<vmem>> -> memref<1x1x1x128xi32, #tpu.memory_space<vmem>>
    %dma_wait3A_171 = tpu.memref_squeeze %dma_wait3A_170 : memref<1x1x1x128xi32, #tpu.memory_space<vmem>> -> memref<128xi32, #tpu.memory_space<vmem>>
    %dma_wait3A_172 = arith.constant 0 : i32
    %dma_wait3A_173 = arith.constant 0 : i32
    %dma_wait3A_174 = tpu.memref_slice %arg9[%dma_wait3A_172, %dma_wait3A_173] : memref<10112x128xf32, #tpu.memory_space<vmem_shared>> -> memref<10112x128xf32, #tpu.memory_space<vmem_shared>>
    tpu.wait_indirect_dma semaphore(%arg13 : memref<!tpu.dma_semaphore, #tpu.memory_space<semaphore_mem>>) src(%arg8 : memref<128x128xf32, #tpu.memory_space<vmem>>) dst(%dma_wait3A_174 : memref<10112x128xf32, #tpu.memory_space<vmem_shared>>)
    %dma_start3A_175 = arith.constant 1 : i32
    %dma_start3A_176 = arith.constant 0 : i32
    %dma_start3A_177 = arith.constant 1 : i32
    %dma_start3A_178 = arith.constant 0 : i32
    %dma_start3A_179 = tpu.memref_slice %arg6[%dma_start3A_175, %dma_start3A_176, %dma_start3A_177, %dma_start3A_178] : memref<2x2x2x128xi32, #tpu.memory_space<vmem>> -> memref<1x1x1x128xi32, #tpu.memory_space<vmem>>
    %dma_start3A_180 = tpu.memref_squeeze %dma_start3A_179 : memref<1x1x1x128xi32, #tpu.memory_space<vmem>> -> memref<128xi32, #tpu.memory_space<vmem>>
    %dma_start3A_181 = arith.constant 0 : i32
    %dma_start3A_182 = arith.constant 0 : i32
    %dma_start3A_183 = tpu.memref_slice %arg3[%dma_start3A_181, %dma_start3A_182] : memref<40000x128xf32, #tpu.memory_space<hbm>> -> memref<40000x128xf32, #tpu.memory_space<hbm>>
    tpu.enqueue_indirect_dma source(%dma_start3A_183 : memref<40000x128xf32, #tpu.memory_space<hbm>>) target(%arg8 : memref<128x128xf32, #tpu.memory_space<vmem>>) offsets(%dma_start3A_180 : memref<128xi32, #tpu.memory_space<vmem>>) semaphore(%arg11 : memref<!tpu.dma_semaphore, #tpu.memory_space<semaphore_mem>>)
    %dma_wait3A_184 = arith.constant 1 : i32
    %dma_wait3A_185 = arith.constant 0 : i32
    %dma_wait3A_186 = arith.constant 0 : i32
    %dma_wait3A_187 = arith.constant 0 : i32
    %dma_wait3A_188 = tpu.memref_slice %arg6[%dma_wait3A_184, %dma_wait3A_185, %dma_wait3A_186, %dma_wait3A_187] : memref<2x2x2x128xi32, #tpu.memory_space<vmem>> -> memref<1x1x1x128xi32, #tpu.memory_space<vmem>>
    %dma_wait3A_189 = tpu.memref_squeeze %dma_wait3A_188 : memref<1x1x1x128xi32, #tpu.memory_space<vmem>> -> memref<128xi32, #tpu.memory_space<vmem>>
    %dma_wait3A_190 = arith.constant 0 : i32
    %dma_wait3A_191 = arith.constant 0 : i32
    %dma_wait3A_192 = tpu.memref_slice %arg3[%dma_wait3A_190, %dma_wait3A_191] : memref<40000x128xf32, #tpu.memory_space<hbm>> -> memref<40000x128xf32, #tpu.memory_space<hbm>>
    tpu.wait_indirect_dma semaphore(%arg10 : memref<!tpu.dma_semaphore, #tpu.memory_space<semaphore_mem>>) src(%dma_wait3A_192 : memref<40000x128xf32, #tpu.memory_space<hbm>>) dst(%arg7 : memref<128x128xf32, #tpu.memory_space<vmem>>)
    %dma_start3A_193 = arith.constant 1 : i32
    %dma_start3A_194 = arith.constant 1 : i32
    %dma_start3A_195 = arith.constant 0 : i32
    %dma_start3A_196 = arith.constant 0 : i32
    %dma_start3A_197 = tpu.memref_slice %arg6[%dma_start3A_193, %dma_start3A_194, %dma_start3A_195, %dma_start3A_196] : memref<2x2x2x128xi32, #tpu.memory_space<vmem>> -> memref<1x1x1x128xi32, #tpu.memory_space<vmem>>
    %dma_start3A_198 = tpu.memref_squeeze %dma_start3A_197 : memref<1x1x1x128xi32, #tpu.memory_space<vmem>> -> memref<128xi32, #tpu.memory_space<vmem>>
    %dma_start3A_199 = arith.constant 0 : i32
    %dma_start3A_200 = arith.constant 0 : i32
    %dma_start3A_201 = tpu.memref_slice %arg9[%dma_start3A_199, %dma_start3A_200] : memref<10112x128xf32, #tpu.memory_space<vmem_shared>> -> memref<10112x128xf32, #tpu.memory_space<vmem_shared>>
    tpu.enqueue_indirect_dma source(%arg7 : memref<128x128xf32, #tpu.memory_space<vmem>>) target(%dma_start3A_201 : memref<10112x128xf32, #tpu.memory_space<vmem_shared>>) offsets(%dma_start3A_198 : memref<128xi32, #tpu.memory_space<vmem>>) semaphore(%arg12 : memref<!tpu.dma_semaphore, #tpu.memory_space<semaphore_mem>>) {add = true}
    %dma_wait3A_202 = arith.constant 1 : i32
    %dma_wait3A_203 = arith.constant 0 : i32
    %dma_wait3A_204 = arith.constant 1 : i32
    %dma_wait3A_205 = arith.constant 0 : i32
    %dma_wait3A_206 = tpu.memref_slice %arg6[%dma_wait3A_202, %dma_wait3A_203, %dma_wait3A_204, %dma_wait3A_205] : memref<2x2x2x128xi32, #tpu.memory_space<vmem>> -> memref<1x1x1x128xi32, #tpu.memory_space<vmem>>
    %dma_wait3A_207 = tpu.memref_squeeze %dma_wait3A_206 : memref<1x1x1x128xi32, #tpu.memory_space<vmem>> -> memref<128xi32, #tpu.memory_space<vmem>>
    %dma_wait3A_208 = arith.constant 0 : i32
    %dma_wait3A_209 = arith.constant 0 : i32
    %dma_wait3A_210 = tpu.memref_slice %arg3[%dma_wait3A_208, %dma_wait3A_209] : memref<40000x128xf32, #tpu.memory_space<hbm>> -> memref<40000x128xf32, #tpu.memory_space<hbm>>
    tpu.wait_indirect_dma semaphore(%arg11 : memref<!tpu.dma_semaphore, #tpu.memory_space<semaphore_mem>>) src(%dma_wait3A_210 : memref<40000x128xf32, #tpu.memory_space<hbm>>) dst(%arg8 : memref<128x128xf32, #tpu.memory_space<vmem>>)
    %dma_start3A_211 = arith.constant 1 : i32
    %dma_start3A_212 = arith.constant 1 : i32
    %dma_start3A_213 = arith.constant 1 : i32
    %dma_start3A_214 = arith.constant 0 : i32
    %dma_start3A_215 = tpu.memref_slice %arg6[%dma_start3A_211, %dma_start3A_212, %dma_start3A_213, %dma_start3A_214] : memref<2x2x2x128xi32, #tpu.memory_space<vmem>> -> memref<1x1x1x128xi32, #tpu.memory_space<vmem>>
    %dma_start3A_216 = tpu.memref_squeeze %dma_start3A_215 : memref<1x1x1x128xi32, #tpu.memory_space<vmem>> -> memref<128xi32, #tpu.memory_space<vmem>>
    %dma_start3A_217 = arith.constant 0 : i32
    %dma_start3A_218 = arith.constant 0 : i32
    %dma_start3A_219 = tpu.memref_slice %arg9[%dma_start3A_217, %dma_start3A_218] : memref<10112x128xf32, #tpu.memory_space<vmem_shared>> -> memref<10112x128xf32, #tpu.memory_space<vmem_shared>>
    tpu.enqueue_indirect_dma source(%arg8 : memref<128x128xf32, #tpu.memory_space<vmem>>) target(%dma_start3A_219 : memref<10112x128xf32, #tpu.memory_space<vmem_shared>>) offsets(%dma_start3A_216 : memref<128xi32, #tpu.memory_space<vmem>>) semaphore(%arg13 : memref<!tpu.dma_semaphore, #tpu.memory_space<semaphore_mem>>) {add = true}
    %dma_wait3A_220 = arith.constant 1 : i32
    %dma_wait3A_221 = arith.constant 1 : i32
    %dma_wait3A_222 = arith.constant 0 : i32
    %dma_wait3A_223 = arith.constant 0 : i32
    %dma_wait3A_224 = tpu.memref_slice %arg6[%dma_wait3A_220, %dma_wait3A_221, %dma_wait3A_222, %dma_wait3A_223] : memref<2x2x2x128xi32, #tpu.memory_space<vmem>> -> memref<1x1x1x128xi32, #tpu.memory_space<vmem>>
    %dma_wait3A_225 = tpu.memref_squeeze %dma_wait3A_224 : memref<1x1x1x128xi32, #tpu.memory_space<vmem>> -> memref<128xi32, #tpu.memory_space<vmem>>
    %dma_wait3A_226 = arith.constant 0 : i32
    %dma_wait3A_227 = arith.constant 0 : i32
    %dma_wait3A_228 = tpu.memref_slice %arg9[%dma_wait3A_226, %dma_wait3A_227] : memref<10112x128xf32, #tpu.memory_space<vmem_shared>> -> memref<10112x128xf32, #tpu.memory_space<vmem_shared>>
    tpu.wait_indirect_dma semaphore(%arg12 : memref<!tpu.dma_semaphore, #tpu.memory_space<semaphore_mem>>) src(%arg7 : memref<128x128xf32, #tpu.memory_space<vmem>>) dst(%dma_wait3A_228 : memref<10112x128xf32, #tpu.memory_space<vmem_shared>>)
    %dma_wait3A_229 = arith.constant 1 : i32
    %dma_wait3A_230 = arith.constant 1 : i32
    %dma_wait3A_231 = arith.constant 1 : i32
    %dma_wait3A_232 = arith.constant 0 : i32
    %dma_wait3A_233 = tpu.memref_slice %arg6[%dma_wait3A_229, %dma_wait3A_230, %dma_wait3A_231, %dma_wait3A_232] : memref<2x2x2x128xi32, #tpu.memory_space<vmem>> -> memref<1x1x1x128xi32, #tpu.memory_space<vmem>>
    %dma_wait3A_234 = tpu.memref_squeeze %dma_wait3A_233 : memref<1x1x1x128xi32, #tpu.memory_space<vmem>> -> memref<128xi32, #tpu.memory_space<vmem>>
    %dma_wait3A_235 = arith.constant 0 : i32
    %dma_wait3A_236 = arith.constant 0 : i32
    %dma_wait3A_237 = tpu.memref_slice %arg9[%dma_wait3A_235, %dma_wait3A_236] : memref<10112x128xf32, #tpu.memory_space<vmem_shared>> -> memref<10112x128xf32, #tpu.memory_space<vmem_shared>>
    tpu.wait_indirect_dma semaphore(%arg13 : memref<!tpu.dma_semaphore, #tpu.memory_space<semaphore_mem>>) src(%arg8 : memref<128x128xf32, #tpu.memory_space<vmem>>) dst(%dma_wait3A_237 : memref<10112x128xf32, #tpu.memory_space<vmem_shared>>)
    %barrier3A_238 = arith.constant 0 : index
    tpu.barrier barrier_id(%barrier3A_238)
    %mul3A_239 = arith.constant 632 : i32
    %mul3A_240 = arith.muli %arg1, %mul3A_239 : i32
    %mul3A_241 = arith.constant 632 : i32
    %mul3A_242 = arith.muli %arg1, %mul3A_241 : i32
    "tpu.region"() ({
      %run_scoped3A = tpu.sem_alloc : memref<!tpu.dma_semaphore, #tpu.memory_space<semaphore_mem>>
      %dma_start3A_243 = arith.constant 0 : i32
      %dma_start3A_244 = tpu.memref_slice %arg5[%arg0, %mul3A_242, %dma_start3A_243] : memref<2x10112x128xf32, #tpu.memory_space<hbm>> -> memref<1x632x128xf32, #tpu.memory_space<hbm>>
      %dma_start3A_245 = tpu.memref_squeeze %dma_start3A_244 : memref<1x632x128xf32, #tpu.memory_space<hbm>> -> memref<632x128xf32, #tpu.memory_space<hbm>>
      %dma_start3A_246 = arith.constant 0 : i32
      %dma_start3A_247 = tpu.memref_slice %arg9[%mul3A_240, %dma_start3A_246] : memref<10112x128xf32, #tpu.memory_space<vmem_shared>> -> memref<632x128xf32, #tpu.memory_space<vmem_shared>>
      tpu.enqueue_dma source(%dma_start3A_247 : memref<632x128xf32, #tpu.memory_space<vmem_shared>>) target(%dma_start3A_245 : memref<632x128xf32, #tpu.memory_space<hbm>>) target_semaphore(%run_scoped3A : memref<!tpu.dma_semaphore, #tpu.memory_space<semaphore_mem>>)
      %dma_wait3A_248 = arith.constant 0 : i32
      %dma_wait3A_249 = tpu.memref_slice %arg5[%arg0, %mul3A_242, %dma_wait3A_248] : memref<2x10112x128xf32, #tpu.memory_space<hbm>> -> memref<1x632x128xf32, #tpu.memory_space<hbm>>
      %dma_wait3A_250 = tpu.memref_squeeze %dma_wait3A_249 : memref<1x632x128xf32, #tpu.memory_space<hbm>> -> memref<632x128xf32, #tpu.memory_space<hbm>>
      %dma_wait3A_251 = arith.constant 0 : i32
      %dma_wait3A_252 = tpu.memref_slice %arg9[%mul3A_240, %dma_wait3A_251] : memref<10112x128xf32, #tpu.memory_space<vmem_shared>> -> memref<632x128xf32, #tpu.memory_space<vmem_shared>>
      tpu.wait_dma2 semaphore(%run_scoped3A : memref<!tpu.dma_semaphore, #tpu.memory_space<semaphore_mem>>) src(%dma_wait3A_252 : memref<632x128xf32, #tpu.memory_space<vmem_shared>>) dst(%dma_wait3A_250 : memref<632x128xf32, #tpu.memory_space<hbm>>)
      tpu.yield
    }) : () -> ()
    return
  }
}

module attributes {stable_mosaic.version = 14 : i64} {
  func.func @_idx_body(%arg0: i32, %arg1: memref<160x128xi32, #tpu.memory_space<vmem>>, %arg2: memref<160x128xi32, #tpu.memory_space<vmem>>, %arg3: memref<160x128xi32, #tpu.memory_space<vmem>>) attributes {dimension_semantics = [#tpu.dimension_semantics<arbitrary>], iteration_bounds = array<i64: 16>, scalar_prefetch = 0 : i64, scratch_operands = 0 : i64, tpu.core_type = #tpu.core_type<tc>, window_params = [{transform_indices = @transform_0, window_bounds = array<i64: 160, 128>}, {transform_indices = @transform_1, window_bounds = array<i64: 160, 128>}, {transform_indices = @transform_2, window_bounds = array<i64: 160, 128>}]} {
    %get3A = arith.constant 0 : index
    %get3A_0 = arith.constant 0 : index
    %get3A_1 = vector.load %arg2[%get3A, %get3A_0] : memref<160x128xi32, #tpu.memory_space<vmem>>, vector<160x128xi32>
    %mul3A = arith.constant 10000 : i32
    %mul3A_2 = vector.broadcast %mul3A : i32 to vector<160x128xi32>
    %mul3A_3 = arith.muli %get3A_1, %mul3A_2 : vector<160x128xi32>
    %get3A_4 = arith.constant 0 : index
    %get3A_5 = arith.constant 0 : index
    %get3A_6 = vector.load %arg1[%get3A_4, %get3A_5] : memref<160x128xi32, #tpu.memory_space<vmem>>, vector<160x128xi32>
    %add3A = arith.addi %mul3A_3, %get3A_6 : vector<160x128xi32>
    %swap3A = arith.constant 0 : index
    %swap3A_7 = arith.constant 0 : index
    %swap3A_8 = vector.load %arg3[%swap3A, %swap3A_7] : memref<160x128xi32, #tpu.memory_space<vmem>>, vector<160x128xi32>
    tpu.vector_store %arg3[%swap3A, %swap3A_7], %add3A {strides = array<i32>} : memref<160x128xi32, #tpu.memory_space<vmem>>, vector<160x128xi32>,
    return
  }
  func.func @transform_0(%arg0: i32) -> (i32, i32) {
    %c0_i32 = arith.constant 0 : i32
    %c0_i32_0 = arith.constant 0 : i32
    return %arg0, %c0_i32 : i32, i32
  }
  func.func @transform_1(%arg0: i32) -> (i32, i32) {
    %c0_i32 = arith.constant 0 : i32
    %c0_i32_0 = arith.constant 0 : i32
    return %arg0, %c0_i32 : i32, i32
  }
  func.func @transform_2(%arg0: i32) -> (i32, i32) {
    %c0_i32 = arith.constant 0 : i32
    %c0_i32_0 = arith.constant 0 : i32
    return %arg0, %c0_i32 : i32, i32
  }
}

module attributes {stable_mosaic.version = 14 : i64} {
  func.func @_xw_body(%arg0: i32, %arg1: i32, %arg2: memref<1000x128xf32, #tpu.memory_space<vmem>>, %arg3: memref<1x128x128xf32, #tpu.memory_space<vmem>>, %arg4: memref<1000x128xf32, #tpu.memory_space<vmem>>) attributes {dimension_semantics = [#tpu.dimension_semantics<arbitrary>, #tpu.dimension_semantics<arbitrary>], iteration_bounds = array<i64: 4, 10>, scalar_prefetch = 0 : i64, scratch_operands = 0 : i64, tpu.core_type = #tpu.core_type<tc>, window_params = [{transform_indices = @transform_0, window_bounds = array<i64: 1000, 128>}, {transform_indices = @transform_1, window_bounds = array<i64: 1, 128, 128>}, {transform_indices = @transform_2, window_bounds = array<i64: 1000, 128>}]} {
    %get3A = arith.constant 0 : index
    %get3A_0 = arith.constant 0 : index
    %get3A_1 = vector.load %arg2[%get3A, %get3A_0] : memref<1000x128xf32, #tpu.memory_space<vmem>>, vector<1000x128xf32>
    %get3A_2 = arith.constant 0 : index
    %get3A_3 = arith.constant 0 : index
    %get3A_4 = arith.constant 0 : index
    %get3A_5 = vector.load %arg3[%get3A_2, %get3A_3, %get3A_4] : memref<1x128x128xf32, #tpu.memory_space<vmem>>, vector<1x128x128xf32>
    %get3A_6 = vector.shape_cast %get3A_5 : vector<1x128x128xf32> to vector<128x128xf32>
    %dot_general3A = arith.constant dense<0.000000e+00> : vector<1000x128xf32>
    %dot_general3A_7 = tpu.matmul %get3A_1, %get3A_6, %dot_general3A {dimension_numbers = #tpu.dot_dimension_numbers<[1], [0], [0], [1], [0, 0, 1, 1], [], []>, transpose_lhs_hint = false} : vector<1000x128xf32>, vector<128x128xf32>, vector<1000x128xf32> -> vector<1000x128xf32>
    %swap3A = arith.constant 0 : index
    %swap3A_8 = arith.constant 0 : index
    %swap3A_9 = vector.load %arg4[%swap3A, %swap3A_8] : memref<1000x128xf32, #tpu.memory_space<vmem>>, vector<1000x128xf32>
    tpu.vector_store %arg4[%swap3A, %swap3A_8], %dot_general3A_7 {strides = array<i32>} : memref<1000x128xf32, #tpu.memory_space<vmem>>, vector<1000x128xf32>,
    return
  }
  func.func @transform_0(%arg0: i32, %arg1: i32) -> (i32, i32) {
    %c0_i32 = arith.constant 0 : i32
    %c0_i32_0 = arith.constant 0 : i32
    return %arg1, %c0_i32 : i32, i32
  }
  func.func @transform_1(%arg0: i32, %arg1: i32) -> (i32, i32, i32) {
    %c0_i32 = arith.constant 0 : i32
    %c0_i32_0 = arith.constant 0 : i32
    %c0_i32_1 = arith.constant 0 : i32
    return %arg0, %c0_i32, %c0_i32_0 : i32, i32, i32
  }
  func.func @transform_2(%arg0: i32, %arg1: i32) -> (i32, i32) {
    %mul3A = arith.constant 10 : i32
    %mul3A_0 = arith.muli %arg0, %mul3A : i32
    %add3A = arith.addi %mul3A_0, %arg1 : i32
    %c0_i32 = arith.constant 0 : i32
    %c0_i32_1 = arith.constant 0 : i32
    return %add3A, %c0_i32 : i32, i32
  }
}

module attributes {stable_mosaic.version = 14 : i64} {
  func.func @_finish_body(%arg0: i32, %arg1: memref<2x1000x128xf32, #tpu.memory_space<vmem>>, %arg2: memref<1x128xf32, #tpu.memory_space<vmem>>, %arg3: memref<1000x128xf32, #tpu.memory_space<vmem>>) attributes {dimension_semantics = [#tpu.dimension_semantics<arbitrary>], iteration_bounds = array<i64: 10>, scalar_prefetch = 0 : i64, scratch_operands = 0 : i64, tpu.core_type = #tpu.core_type<tc>, window_params = [{transform_indices = @transform_0, window_bounds = array<i64: 2, 1000, 128>}, {pipeline_mode = #tpu.pipeline_mode<synchronous>, transform_indices = @transform_1, window_bounds = array<i64: 1, 128>}, {transform_indices = @transform_2, window_bounds = array<i64: 1000, 128>}]} {
    %get3A = arith.constant 0 : index
    %get3A_0 = arith.constant 0 : index
    %get3A_1 = arith.constant 0 : index
    %get3A_2 = vector.load %arg1[%get3A, %get3A_0, %get3A_1] : memref<2x1000x128xf32, #tpu.memory_space<vmem>>, vector<1x1000x128xf32>
    %get3A_3 = vector.shape_cast %get3A_2 : vector<1x1000x128xf32> to vector<1000x128xf32>
    %get3A_4 = arith.constant 1 : index
    %get3A_5 = arith.constant 0 : index
    %get3A_6 = arith.constant 0 : index
    %get3A_7 = vector.load %arg1[%get3A_4, %get3A_5, %get3A_6] : memref<2x1000x128xf32, #tpu.memory_space<vmem>>, vector<1x1000x128xf32>
    %get3A_8 = vector.shape_cast %get3A_7 : vector<1x1000x128xf32> to vector<1000x128xf32>
    %add3A = arith.addf %get3A_3, %get3A_8 : vector<1000x128xf32>
    %get3A_9 = arith.constant 0 : index
    %get3A_10 = arith.constant 0 : index
    %get3A_11 = vector.load %arg2[%get3A_9, %get3A_10] : memref<1x128xf32, #tpu.memory_space<vmem>>, vector<1x128xf32>
    %add3A_12 = vector.broadcast %get3A_11 : vector<1x128xf32> to vector<1000x128xf32>
    %add3A_13 = arith.addf %add3A, %add3A_12 : vector<1000x128xf32>
    %max3A = arith.constant 0.000000e+00 : f32
    %max3A_14 = vector.broadcast %max3A : f32 to vector<1000x128xf32>
    %max3A_15 = arith.maximumf %add3A_13, %max3A_14 : vector<1000x128xf32>
    %swap3A = arith.constant 0 : index
    %swap3A_16 = arith.constant 0 : index
    %swap3A_17 = vector.load %arg3[%swap3A, %swap3A_16] : memref<1000x128xf32, #tpu.memory_space<vmem>>, vector<1000x128xf32>
    tpu.vector_store %arg3[%swap3A, %swap3A_16], %max3A_15 {strides = array<i32>} : memref<1000x128xf32, #tpu.memory_space<vmem>>, vector<1000x128xf32>,
    return
  }
  func.func @transform_0(%arg0: i32) -> (i32, i32, i32) {
    %c0_i32 = arith.constant 0 : i32
    %c0_i32_0 = arith.constant 0 : i32
    %c0_i32_1 = arith.constant 0 : i32
    return %c0_i32, %arg0, %c0_i32_0 : i32, i32, i32
  }
  func.func @transform_1(%arg0: i32) -> (i32, i32) {
    %c0_i32 = arith.constant 0 : i32
    %c0_i32_0 = arith.constant 0 : i32
    %c0_i32_1 = arith.constant 0 : i32
    return %c0_i32, %c0_i32_0 : i32, i32
  }
  func.func @transform_2(%arg0: i32) -> (i32, i32) {
    %c0_i32 = arith.constant 0 : i32
    %c0_i32_0 = arith.constant 0 : i32
    return %arg0, %c0_i32 : i32, i32
  }
}

</mosaic_0001>

<sc_bundles>
// kernel: kernel.6.cloned.1.call-start
scs
__scs_entry_jumppad:
0x0: {  	(pc) =	sbr.rel $0x88, $3  }
0x1: {  	(tag) =	ssettag $0x0;
	lr =	simm.s32 $0x1  }
0x2: {  	[smem:$0x3F9C] =	sst lr;
	_ =	strace $0xD0000000  }
0x3: {  	_ = 	snop  }
0x4: {  	_ = 	snop  }
0x5: {  	_ = 	snop  }
0x6: {  	_ = 	snop  }
0x7: {  	_ = 	snop  }
__scs_overlays_trampoline_lowered:
0x8: {  	[smem:$0x3FAB] =	sst s0  }
0x9: {  	[smem:$0x3FAC] =	sst s1  }
0xa: {  	[smem:$0x3FAD] =	sst s2  }
0xb: {  	[smem:$0x3FAE] =	sst s3  }
0xc: {  	[smem:$0x3FAF] =	sst s4  }
0xd: {  	[smem:$0x3FB0] =	sst s5  }
0xe: {  	[smem:$0x3FB1] =	sst s6  }
0xf: {  	[smem:$0x3FB2] =	sst s7  }
0x10: {  	[smem:$0x3FB3] =	sst s8  }
0x11: {  	[smem:$0x3FB4] =	sst s9;
	s0 =	simm.s32 @!p0 $0x0  }
0x12: {  	s1 =	sld [smem:$0x3F9A];
	s0 =	simm.s32 @p0 $0x1  }
0x13: {  	[smem:$0x3FB5] =	sst s0;
	s0 =	simm.s32 @!p1 $0x0  }
0x14: {  	s2 =	sld [smem:$0x3F99];
	s0 =	simm.s32 @p1 $0x1  }
0x15: {  	[smem:$0x3FB6] =	sst s0;
	s0 =	simm.s32 @!p2 $0x0  }
0x16: {  	s3 =	sld [smem:$0x3FDB];
	s0 =	simm.s32 @p2 $0x1  }
0x17: {  	s4 =	simm.s32 $0x1BF5;
	[smem:$0x3FB8] =	sst s0  }
0x18: {  	s0 =	sld [smem:$0x3F9B];
	_ =	swait.ge [sflag:s4], $0x0  }
0x19: {  	s7 =	sld [smem:$0x3F9C]  }
0x1a: {  	s8 =	sadd.s32 $0xFFFFE003, lr  }
0x1b: {  	s9 =	sadd.s32 $0xFFFFFEF7, lr;
	s5 =	simm.s32 $0xFFFFFFFF;
	p2 =	slt.u32 s8, $0xFFFFF086  }
0x1c: {  	p1 =	slt.u32 s9, $0xF7A;
	s5 =	simm.s32 @!p2 $0x0  }
0x1d: {  	s5 =	simm.s32 @p1 $0x1;
	p0 =	seq.s32 s7, s2  }
0x1e: {  	s7 =	smul.u32 @!p0 $0xF7A, s2;
	p2 =	seq.s32 @!p0 s5, $0x0  }
0x1f: {  	s9 =	smul.u32 $0xF7A, s1;
	s8 =	simm.s32 @!p0 $0x1BF5;
	p2 =	por !p2, p0  }
0x20: {  	[sflag:s8] =	ssyncset.s32 @!p0 $0xFFFFF086;
	s6 =	sadd.s32 @!p0 s3, s7;
	s7 =	simm.s32 @!p0 $0x108  }
0x21: {  	s3 =	sadd.s32 s3, s9;
	s6 =	sadd.s32 @!p0 $0x88, s6;
	s7 =	simm.s32 @p2 $0x1082  }
0x22: {  	[simem:s7], [sflag:s8] =	dma.local @!p0 [hbm:s6], $0xF7A  }
0x23: {  	s9 =	sor.u32 $0xD0000000, s2;
	s6 =	simm.s32 $0x108;
	_ =	swait.ge @!p0 [sflag:s8], $0x0  }
0x24: {  	s3 =	sadd.s32 $0x88, s3;
	s6 =	simm.s32 @!p1 $0x1082;
	[sflag:s4] =	ssyncset.s32 $0xFFFFF086  }
0x25: {  	[simem:s6], [sflag:s4] =	dma.local [hbm:s3], $0xF7A  }
0x26: {  	[smem:$0x3F9C] =	sst s1;
	(tag) =	ssettag s2;
	_ =	strace s9  }
0x27: {  	s1 =	sld [smem:$0x3FAC]  }
0x28: {  	s2 =	sld [smem:$0x3FAD]  }
0x29: {  	s4 =	sld [smem:$0x3FAF]  }
0x2a: {  	p0 =	seq.s32 s5, $0x0;
	s5 =	sld [smem:$0x3FB0]  }
0x2b: {  	s6 =	sld [smem:$0x3FB1]  }
0x2c: {  	s7 =	sld [smem:$0x3FB2]  }
0x2d: {  	s3 =	simm.s32 $0x108;
	s8 =	sld [smem:$0x3FB3]  }
0x2e: {  	s3 =	simm.s32 @!p0 $0x1082;
	s9 =	sld [smem:$0x3FB4]  }
0x2f: {  	lr =	sadd.s32 s0, s3;
	s0 =	sld [smem:$0x3FAB]  }
0x30: {  	s3 =	sld [smem:$0x3FAE]  }
0x31: {  	[smem:$0x3FB7] =	sst s10  }
0x32: {  	s10 =	sld [smem:$0x3FB5];
	_ =	sdelay $0x3  }
0x33: {  	p0 =	seq.s32 s10, $0x1;
	s10 =	sld [smem:$0x3FB7];
	_ =	sdelay $0x3  }
0x34: {  	[smem:$0x3FB7] =	sst s10  }
0x35: {  	s10 =	sld [smem:$0x3FB6];
	_ =	sdelay $0x3  }
0x36: {  	p1 =	seq.s32 s10, $0x1;
	s10 =	sld [smem:$0x3FB7];
	_ =	sdelay $0x3  }
0x37: {  	[smem:$0x3FB7] =	sst s10  }
0x38: {  	s10 =	sld [smem:$0x3FB8]  }
0x39: {  	_ = 	snop;
	(pc) =	sbr.ind lr, $3  }
0x3a: {  	_ = 	snop  }
0x3b: {  	_ = 	snop  }
0x3c: {  	p2 =	seq.s32 s10, $0x1;
	s10 =	sld [smem:$0x3FB7]  }
0x3d: {  	_ =	shalt  }
0x3e: {  	_ =	shalt  }
0x3f: {  	_ =	shalt  }
0x40: {  	_ =	shalt  }
0x41: {  	_ =	shalt  }
0x42: {  	_ =	shalt  }
0x43: {  	_ =	shalt  }
0x44: {  	_ =	shalt  }
0x45: {  	_ =	shalt  }
0x46: {  	_ =	shalt  }
0x47: {  	_ =	shalt  }
0x48: {  	_ =	shalt  }
0x49: {  	_ =	shalt  }
0x4a: {  	_ =	shalt  }
0x4b: {  	_ =	shalt  }
0x4c: {  	_ =	shalt  }
0x4d: {  	_ =	shalt  }
0x4e: {  	_ =	shalt  }
0x4f: {  	_ =	shalt  }
0x50: {  	_ =	shalt  }
0x51: {  	_ =	shalt  }
0x52: {  	_ =	shalt  }
0x53: {  	_ =	shalt  }
0x54: {  	_ =	shalt  }
0x55: {  	_ =	shalt  }
0x56: {  	_ =	shalt  }
0x57: {  	_ =	shalt  }
0x58: {  	_ =	shalt  }
0x59: {  	_ =	shalt  }
0x5a: {  	_ =	shalt  }
0x5b: {  	_ =	shalt  }
0x5c: {  	_ =	shalt  }
0x5d: {  	_ =	shalt  }
0x5e: {  	_ =	shalt  }
0x5f: {  	_ =	shalt  }
0x60: {  	_ =	shalt  }
0x61: {  	_ =	shalt  }
0x62: {  	_ =	shalt  }
0x63: {  	_ =	shalt  }
0x64: {  	_ =	shalt  }
0x65: {  	_ =	shalt  }
0x66: {  	_ =	shalt  }
0x67: {  	_ =	shalt  }
0x68: {  	_ =	shalt  }
0x69: {  	_ =	shalt  }
0x6a: {  	_ =	shalt  }
0x6b: {  	_ =	shalt  }
0x6c: {  	_ =	shalt  }
0x6d: {  	_ =	shalt  }
0x6e: {  	_ =	shalt  }
0x6f: {  	_ =	shalt  }
0x70: {  	_ =	shalt  }
0x71: {  	_ =	shalt  }
0x72: {  	_ =	shalt  }
0x73: {  	_ =	shalt  }
0x74: {  	_ =	shalt  }
0x75: {  	_ =	shalt  }
0x76: {  	_ =	shalt  }
0x77: {  	_ =	shalt  }
0x78: {  	_ =	shalt  }
0x79: {  	_ =	shalt  }
0x7a: {  	_ =	shalt  }
0x7b: {  	_ =	shalt  }
0x7c: {  	_ =	shalt  }
0x7d: {  	_ =	shalt  }
0x7e: {  	_ =	shalt  }
0x7f: {  	_ =	shalt  }
0x80: {  	_ =	shalt  }
0x81: {  	_ =	shalt  }
0x82: {  	_ =	shalt  }
0x83: {  	_ =	shalt  }
0x84: {  	_ =	shalt  }
0x85: {  	_ =	shalt  }
0x86: {  	_ =	shalt  }
0x87: {  	_ =	shalt  }
.Lfunc_end0:
.L_simem_size_0:
called_computation_lowered:
.L_overlay_start_0:
0x88: {  	s2 =	sld [smem:$0x3FD9]  }
0x89: {  	s3 =	sld [smem:$0x3FFE];
	_ =	sdelay $0x1  }
0x8a: {  	s1 =	srdreg.scid  }
0x8b: {  	s0 =	sand.u32 $0x1, s1  }
0x8c: {  	s17 =	sshll.u32 s0, $0xA;
	s2 =	sadd.s32 s3, s2  }
0x8d: {  	s2 =	sadd.s32 s2, s17  }
0x8e: {  	[smem:$0x3FC3] =	sst s2  }
0x8f: {  	_ = 	snop  }
0x90: {  	s2 =	sld [smem:$0x3FD0];
	(tm) =	ssettm $0x1  }
0x91: {  	s18 =	sld [smem:$0x3FFB];
	_ =	sdelay $0x3  }
0x92: {  	_ =	strace s18  }
0x93: {  	s3 =	sld [smem:$0x3FFC];
	_ =	sdelay $0x3  }
0x94: {  	_ =	strace s3  }
0x95: {  	s3 =	sld [smem:$0x3FFD];
	_ =	sdelay $0x3  }
0x96: {  	_ =	strace s3  }
0x97: {  	_ =	strace $0x8FFFFFFF  }
0x98: {  	s19 =	sld [smem:$0x3FDB];
	_ =	sdelay $0x1  }
0x99: {  	s4 =	simm.s32 $_scs_section_size  }
0x9a: {  	s5 =	simm.s32 $_size__tile_overlayer_lowered;
	s6 =	simm.s32 $_tile_overlayer_lowered  }
0x9b: {  	s22 =	simm.s32 $0x1BFF;
	s21 =	sshll.u32 s6, $0x1;
	s3 =	sadd.s32 s4, s19  }
0x9c: {  	s7 =	simm.s32 $0x0;
	s20 =	sshll.u32 s5, $0x1;
	s5 =	sadd.s32 s21, s3  }
0x9d: {  	[timem:s7], [sflag:s22] =	dma.local [hbm:s5], s20  }
0x9e: {  	_ =	swait.ge [sflag:s22], s20  }
0x9f: {  	s4 =	ssub.s32 $0x0, s20;
	[sflag:s22] =	ssyncset.done $0x0  }
0xa0: {  	[sflag:s22] =	ssyncadd.s32 s4;
	_ =	sdelay $0x1  }
0xa1: {  	s23 =	simm.s32 $0x1B8B  }
0xa2: {  	_ =	swait.ge [sflag:s23], $0x1  }
0xa3: {  	[sflag:s23] =	ssyncset.done $0x0  }
0xa4: {  	s25 =	simm.s32 $0x1B8E;
	s24 =	sld [smem:$0x3FFE];
	[sflag:s23] =	ssyncadd.s32 $0xFFFFFFFF  }
0xa5: {  	s26 =	simm.s32 $execute0_lowered;
	[smem:$0x3FD2] =	sst s25  }
0xa6: {  	s5 =	sshll.u32 s26, $0x1;
	_ =	strace $0x80000046;
	[dreg:$0x1] =	wrdreg $0xFFFFFFFF  }
0xa7: {  	s28 =	simm.s32 $_size_execute0_lowered;
	s3 =	sadd.s32 s3, s5;
	[dreg:$0x0] =	wrdreg $0x0  }
0xa8: {  	s5 =	sshll.u32 s28, $0x1;
	[dreg:$0x2] =	wrdreg s3  }
0xa9: {  	[dreg:$0x3] =	wrdreg s5  }
0xaa: {  	[dreg:$0x4] =	wrdreg $0xC0  }
0xab: {  	_ =	task [dreg:s7], $0x5FFFF  }
0xac: {  	[dreg:$0x1] =	wrdreg $0xFFFFFFFF  }
0xad: {  	[dreg:$0x0] =	wrdreg $0x60  }
0xae: {  	[dreg:$0x2] =	wrdreg s2  }
0xaf: {  	[dreg:$0x3] =	wrdreg s24  }
0xb0: {  	[dreg:$0x4] =	wrdreg $0x84000  }
0xb1: {  	[dreg:$0x5] =	wrdreg $0x9  }
0xb2: {  	_ =	task.clear_ibuf [dreg:s7], $0x6FFFF;
	_ =	strace $0x90000046  }
0xb3: {  	s29 =	simm.s32 $0x9;
	_ =	strace $0x80000048  }
0xb4: {  	_ =	swait.ge [sflag:s29], $0x1  }
0xb5: {  	[sflag:s29] =	ssyncadd.s32 $0xFFFFFFFF  }
0xb6: {  	_ =	strace $0x90000048  }
0xb7: {  	_ =	sfence  }
0xb8: {  	s30 =	sld [smem:$0x0];
	_ =	sdelay $0x2  }
0xb9: {  	s31 =	sshll.u32 s1, $0xD;
	s1 =	sshrl.u32 s1, $0x2  }
0xba: {  	s3 =	sand.u32 $0x4000, s31;
	s1 =	sadd.s32 s1, s30  }
0xbb: {  	s0 =	sor.u32 s3, s0;
	s1 =	sshll.u32 s1, $0x11  }
0xbc: {  	s0 =	sor.u32 s1, s0  }
0xbd: {  	s0 =	sadd.s32 $0x8F2B, s0  }
0xbe: {  	[sflag:s0] =	ssyncadd.remote.s32 $0x1  }
0xbf: {  	_ =	sfence.sel $0xFFFF  }
0xc0: {  	[dreg:$0x0] =	wrdreg $0xFFFFFFFF;
	(pc) =	sbr.abs _section_cstart, $3  }
0xc1: {  	[dreg:$0x1] =	wrdreg $0xFFFFFFFF  }
0xc2: {  	_ =	task.clear_ibuf [dreg:s7], $0x2FFFF;
	_ =	strace $0x9FFFFFFF  }
0xc3: {  	(tm) =	ssettm $0x7FFFFFFF  }
tec
execute0_lowered:
.L_overlay_start_1:
0x0: {  	(tag) =	ssettag $0x1  }
0x1: {  	s0 =	rddreg [dreg:$0x0]  }
0x2: {  	s2 =	rddreg [dreg:$0x1]  }
0x3: {  	s1 =	rddreg [dreg:$0x2]  }
0x4: {  	s3 =	simm.s32 $0x0;
	s4 =	srdreg.scid;
	s5 =	stileid.u32  }
0x5: {  	s14 =	simm.s32 $0x7;
	s15 =	simm.s32 $0x5;
	s16 =	simm.s32 $0x80  }
0x6: {  	s17 =	simm.s32 $0x400;
	s28 =	simm.s32 $0x280;
	s29 =	simm.s32 $0x300  }
0x7: {  	s30 =	simm.s32 $0x380;
	s31 =	simm.s32 $0x0;
	s8 =	smul.u32 $0x13C00, s5  }
0x8: {  	[smem:$0x7FF] =	sst s3;
	s6 =	sand.u32 $0x1, s4;
	s20 =	smul.u32 $0x4F000, s5  }
0x9: {  	s4 =	sadd.s32 $0xE00, s2;
	s9 =	sadd.s32 $0x9D200, s2;
	s11 =	smul.u32 $0xA000, s5  }
0xa: {  	s18 =	sshll.u32 s5, $0x1;
	s24 =	sshll.u32 s5, $0x6;
	s7 =	smul.u32 $0x13C000, s6  }
0xb: {  	_ =	strace $0x80000047;
	[dreg:$0x4] =	wrdreg s9;
	s19 =	sor.u32 s6, s18  }
0xc: {  	s10 =	ssub.s32 $0x2, s6;
	s23 =	smul.u32 $0x5000, s6;
	s6 =	sor.u32 $0x1C07, s24  }
0xd: {  	s18 =	simm.s32 $0x4400;
	s24 =	simm.s32 $0x6;
	s21 =	sshrl.u32 s10, $0x1  }
0xe: {  	s22 =	sshrl.u32 s20, $0x2;
	s20 =	simm.s32 $0x1;
	s7 =	sadd.s32 s8, s7  }
0xf: {  	s8 =	smul.u32 $0x5000, s19;
	s10 =	ssub.s32 s10, s21;
	s13 =	sadd.s32 s22, s1  }
0x10: {  	s9 =	sadd.s32 s23, s11;
	s19 =	simm.s32 $0x200;
	s21 =	simm.s32 $0x100  }
0x11: {  	s22 =	simm.s32 $0x2;
	s23 =	simm.s32 $0x180;
	s7 =	sshrl.u32 s7, $0x3  }
0x12: {  	s11 =	sor.u32 $0x600, s9;
	s12 =	sor.u32 $0x400, s9;
	s10 =	smax.u32 s10, $0x1  }
0x13: {  	s13 =	sshrl.u32 s13, $0x3;
	s2 =	sadd.s32 s7, s2;
	s25 =	sshrl.u32 s8, $0x3  }
0x14: {  	s26 =	sshrl.u32 s11, $0x3;
	s12 =	sshrl.u32 s12, $0x3;
	s7 =	sadd.s32 s0, s25  }
0x15: {  	s9 =	sadd.s32 $0x9FA00, s2;
	s11 =	sadd.s32 s26, s0;
	s12 =	sadd.s32 s12, s0  }
0x16: {  	s25 =	simm.s32 $0x3;
	s26 =	simm.s32 $0x4;
	s8 =	sadd.s32 $0x40, s7  }
.LBB2_1:
0x17: {  	s0 =	rddreg [dreg:$0x4]  }
0x18: {  	[spmem:s13], [sflag:s6] =	dma.local [hbm:s0], $0x2780  }
0x19: {  	_ =	swait.ge [sflag:s14], $0x2780  }
0x1a: {  	[sflag:s14] =	ssyncset.done $0x0  }
0x1b: {  	[sflag:s14] =	ssyncadd.s32 $0xFFFFD880  }
0x1c: {  	[bflag:$0x0] =	sbarrier.arrive $0xFFFF  }
0x1d: {  	[tilespmem:s3], [sflag:$0x5] =	stream.linear.gather [hbm4b:s7+s3], $0x200, $0x38;
	[tilespmem:$0x1C000] =	vst v63  }
0x1e: {  	_ =	swait.ge [sflag:s15], $0x200  }
0x1f: {  	[sflag:s15] =	ssyncset.done $0x0  }
0x20: {  	[sflag:s15] =	ssyncadd.s32 $0xFFFFFE00  }
0x21: {  	[tilespmem:s17], [sflag:$0x1] =	stream.indirect.gather [hbm4b:s4+s16], $0x80, s3, s16, $0xb8;
	[tilespmem:$0x1C000] =	vst v63  }
0x22: {  	_ = 	snop  }
0x23: {  	[tilespmem:s18], [sflag:$0x2] =	stream.indirect.gather [hbm4b:s4+s16], $0x80, s16, s16, $0xb8;
	[tilespmem:$0x1C000] =	vst v63  }
0x24: {  	_ = 	snop  }
0x25: {  	[tilespmem:s19], [sflag:$0x6] =	stream.linear.gather [hbm4b:s8+s3], $0x200, $0x38;
	[tilespmem:$0x1C000] =	vst v63  }
0x26: {  	_ =	swait.ge [sflag:s20], $0x4000  }
0x27: {  	[sflag:s20] =	ssyncset.done $0x0  }
0x28: {  	[sflag:s20] =	ssyncadd.s32 $0xFFFFC000  }
0x29: {  	[spmem:s1] =	stream.indirect.scatter.add.f32 [tilespmem:s17], [sflag:$0x3], $0x80, s21, s16, $0xb8;
	[tilespmem:$0x1C000] =	vst v63  }
0x2a: {  	_ =	swait.ge [sflag:s22], $0x4000  }
0x2b: {  	[sflag:s22] =	ssyncset.done $0x0  }
0x2c: {  	[sflag:s22] =	ssyncadd.s32 $0xFFFFC000  }
0x2d: {  	[spmem:s1] =	stream.indirect.scatter.add.f32 [tilespmem:s18], [sflag:$0x4], $0x80, s23, s16, $0xb8;
	[tilespmem:$0x1C000] =	vst v63  }
0x2e: {  	_ =	swait.ge [sflag:s24], $0x200  }
0x2f: {  	[sflag:s24] =	ssyncset.done $0x0  }
0x30: {  	[sflag:s24] =	ssyncadd.s32 $0xFFFFFE00  }
0x31: {  	_ =	swait.ge [sflag:s25], $0x4000  }
0x32: {  	[sflag:s25] =	ssyncset.done $0x0  }
0x33: {  	[sflag:s25] =	ssyncadd.s32 $0xFFFFC000  }
0x34: {  	[tilespmem:s17], [sflag:$0x1] =	stream.indirect.gather [hbm4b:s4+s16], $0x80, s19, s16, $0xb8;
	[tilespmem:$0x1C000] =	vst v63  }
0x35: {  	_ =	swait.ge [sflag:s26], $0x4000  }
0x36: {  	[sflag:s26] =	ssyncset.done $0x0  }
0x37: {  	[sflag:s26] =	ssyncadd.s32 $0xFFFFC000  }
0x38: {  	[tilespmem:s18], [sflag:$0x2] =	stream.indirect.gather [hbm4b:s4+s16], $0x80, s28, s16, $0xb8;
	[tilespmem:$0x1C000] =	vst v63  }
0x39: {  	s5 =	sadd.s32 $0x0, s12  }
0x3a: {  	[tilespmem:s3], [sflag:$0x5] =	stream.linear.gather [hbm4b:s5+s3], $0x200, $0x38;
	[tilespmem:$0x1C000] =	vst v63  }
0x3b: {  	_ =	swait.ge [sflag:s20], $0x4000  }
0x3c: {  	[sflag:s20] =	ssyncset.done $0x0  }
0x3d: {  	[sflag:s20] =	ssyncadd.s32 $0xFFFFC000  }
0x3e: {  	[spmem:s1] =	stream.indirect.scatter.add.f32 [tilespmem:s17], [sflag:$0x3], $0x80, s29, s16, $0xb8;
	[tilespmem:$0x1C000] =	vst v63  }
0x3f: {  	_ =	swait.ge [sflag:s22], $0x4000  }
0x40: {  	[sflag:s22] =	ssyncset.done $0x0  }
0x41: {  	[sflag:s22] =	ssyncadd.s32 $0xFFFFC000  }
0x42: {  	[spmem:s1] =	stream.indirect.scatter.add.f32 [tilespmem:s18], [sflag:$0x4], $0x80, s30, s16, $0xb8;
	[tilespmem:$0x1C000] =	vst v63  }
0x43: {  	_ =	swait.ge [sflag:s15], $0x200  }
0x44: {  	[sflag:s15] =	ssyncset.done $0x0  }
0x45: {  	[sflag:s15] =	ssyncadd.s32 $0xFFFFFE00  }
0x46: {  	_ =	swait.ge [sflag:s25], $0x4000  }
0x47: {  	[sflag:s25] =	ssyncset.done $0x0  }
0x48: {  	[sflag:s25] =	ssyncadd.s32 $0xFFFFC000  }
0x49: {  	[tilespmem:s17], [sflag:$0x1] =	stream.indirect.gather [hbm4b:s4+s16], $0x80, s3, s16, $0xb8;
	[tilespmem:$0x1C000] =	vst v63  }
0x4a: {  	_ =	swait.ge [sflag:s26], $0x4000  }
0x4b: {  	[sflag:s26] =	ssyncset.done $0x0  }
0x4c: {  	s2 =	sadd.s32 $0x0, s11;
	s0 =	simm.s32 $0x80;
	[sflag:s26] =	ssyncadd.s32 $0xFFFFC000  }
0x4d: {  	[tilespmem:s18], [sflag:$0x2] =	stream.indirect.gather [hbm4b:s4+s16], $0x80, s16, s16, $0xb8;
	[tilespmem:$0x1C000] =	vst v63  }
.LBB2_2:
0x4e: {  	[tilespmem:s19], [sflag:$0x6] =	stream.linear.gather [hbm4b:s2+s3], $0x200, $0x38;
	[tilespmem:$0x1C000] =	vst v63  }
0x4f: {  	s2 =	smov.u32 s0  }
0x50: {  	p0 =	sne.s32 s0, $0x900;
	s0 =	sadd.s32 $0x80, s0;
	_ =	swait.ge [sflag:s20], $0x4000  }
0x51: {  	[sflag:s20] =	ssyncset.done $0x0  }
0x52: {  	[sflag:s20] =	ssyncadd.s32 $0xFFFFC000  }
0x53: {  	[spmem:s1] =	stream.indirect.scatter.add.f32 [tilespmem:s17], [sflag:$0x3], $0x80, s21, s16, $0xb8;
	[tilespmem:$0x1C000] =	vst v63  }
0x54: {  	_ =	swait.ge [sflag:s22], $0x4000  }
0x55: {  	[sflag:s22] =	ssyncset.done $0x0  }
0x56: {  	[sflag:s22] =	ssyncadd.s32 $0xFFFFC000  }
0x57: {  	[spmem:s1] =	stream.indirect.scatter.add.f32 [tilespmem:s18], [sflag:$0x4], $0x80, s23, s16, $0xb8;
	[tilespmem:$0x1C000] =	vst v63  }
0x58: {  	_ =	swait.ge [sflag:s24], $0x200  }
0x59: {  	[sflag:s24] =	ssyncset.done $0x0  }
0x5a: {  	[sflag:s24] =	ssyncadd.s32 $0xFFFFFE00  }
0x5b: {  	_ =	swait.ge [sflag:s25], $0x4000  }
0x5c: {  	[sflag:s25] =	ssyncset.done $0x0  }
0x5d: {  	[sflag:s25] =	ssyncadd.s32 $0xFFFFC000  }
0x5e: {  	[tilespmem:s17], [sflag:$0x1] =	stream.indirect.gather [hbm4b:s4+s16], $0x80, s19, s16, $0xb8;
	[tilespmem:$0x1C000] =	vst v63  }
0x5f: {  	_ =	swait.ge [sflag:s26], $0x4000  }
0x60: {  	[sflag:s26] =	ssyncset.done $0x0  }
0x61: {  	[sflag:s26] =	ssyncadd.s32 $0xFFFFC000  }
0x62: {  	[tilespmem:s18], [sflag:$0x2] =	stream.indirect.gather [hbm4b:s4+s16], $0x80, s28, s16, $0xb8;
	[tilespmem:$0x1C000] =	vst v63  }
0x63: {  	s5 =	sadd.s32 s2, s12  }
0x64: {  	[tilespmem:s3], [sflag:$0x5] =	stream.linear.gather [hbm4b:s5+s3], $0x200, $0x38;
	[tilespmem:$0x1C000] =	vst v63  }
0x65: {  	_ =	swait.ge [sflag:s20], $0x4000  }
0x66: {  	[sflag:s20] =	ssyncset.done $0x0  }
0x67: {  	[sflag:s20] =	ssyncadd.s32 $0xFFFFC000  }
0x68: {  	[spmem:s1] =	stream.indirect.scatter.add.f32 [tilespmem:s17], [sflag:$0x3], $0x80, s29, s16, $0xb8;
	[tilespmem:$0x1C000] =	vst v63  }
0x69: {  	_ =	swait.ge [sflag:s22], $0x4000  }
0x6a: {  	[sflag:s22] =	ssyncset.done $0x0  }
0x6b: {  	[sflag:s22] =	ssyncadd.s32 $0xFFFFC000  }
0x6c: {  	[spmem:s1] =	stream.indirect.scatter.add.f32 [tilespmem:s18], [sflag:$0x4], $0x80, s30, s16, $0xb8;
	[tilespmem:$0x1C000] =	vst v63  }
0x6d: {  	_ =	swait.ge [sflag:s15], $0x200  }
0x6e: {  	[sflag:s15] =	ssyncset.done $0x0  }
0x6f: {  	[sflag:s15] =	ssyncadd.s32 $0xFFFFFE00  }
0x70: {  	_ =	swait.ge [sflag:s25], $0x4000  }
0x71: {  	[sflag:s25] =	ssyncset.done $0x0  }
0x72: {  	[sflag:s25] =	ssyncadd.s32 $0xFFFFC000  }
0x73: {  	[tilespmem:s17], [sflag:$0x1] =	stream.indirect.gather [hbm4b:s4+s16], $0x80, s3, s16, $0xb8;
	[tilespmem:$0x1C000] =	vst v63  }
.Ltmp0:
0x74: {  	_ =	swait.ge [sflag:s26], $0x4000;
	(pc) =	sbr.rel @p0 .LBB2_2-.Ltmp0, $4  }
0x75: {  	[sflag:s26] =	ssyncset.done $0x0  }
0x76: {  	[sflag:s26] =	ssyncadd.s32 $0xFFFFC000  }
0x77: {  	[tilespmem:s18], [sflag:$0x2] =	stream.indirect.gather [hbm4b:s4+s16], $0x80, s16, s16, $0xb8;
	[tilespmem:$0x1C000] =	vst v63  }
0x78: {  	s2 =	sadd.s32 s2, s11  }
0x79: {  	[tilespmem:s19], [sflag:$0x6] =	stream.linear.gather [hbm4b:s2+s3], $0x200, $0x38;
	[tilespmem:$0x1C000] =	vst v63  }
0x7a: {  	_ =	swait.ge [sflag:s20], $0x4000  }
0x7b: {  	[sflag:s20] =	ssyncset.done $0x0  }
0x7c: {  	[sflag:s20] =	ssyncadd.s32 $0xFFFFC000  }
0x7d: {  	[spmem:s1] =	stream.indirect.scatter.add.f32 [tilespmem:s17], [sflag:$0x3], $0x80, s21, s16, $0xb8;
	[tilespmem:$0x1C000] =	vst v63  }
0x7e: {  	_ =	swait.ge [sflag:s22], $0x4000  }
0x7f: {  	[sflag:s22] =	ssyncset.done $0x0  }
0x80: {  	[sflag:s22] =	ssyncadd.s32 $0xFFFFC000  }
0x81: {  	[spmem:s1] =	stream.indirect.scatter.add.f32 [tilespmem:s18], [sflag:$0x4], $0x80, s23, s16, $0xb8;
	[tilespmem:$0x1C000] =	vst v63  }
0x82: {  	_ =	swait.ge [sflag:s24], $0x200  }
0x83: {  	[sflag:s24] =	ssyncset.done $0x0  }
0x84: {  	[sflag:s24] =	ssyncadd.s32 $0xFFFFFE00  }
0x85: {  	_ =	swait.ge [sflag:s25], $0x4000  }
0x86: {  	[sflag:s25] =	ssyncset.done $0x0  }
0x87: {  	[sflag:s25] =	ssyncadd.s32 $0xFFFFC000  }
0x88: {  	[tilespmem:s17], [sflag:$0x1] =	stream.indirect.gather [hbm4b:s4+s16], $0x80, s19, s16, $0xb8;
	[tilespmem:$0x1C000] =	vst v63  }
0x89: {  	_ =	swait.ge [sflag:s26], $0x4000  }
0x8a: {  	[sflag:s26] =	ssyncset.done $0x0  }
0x8b: {  	[sflag:s26] =	ssyncadd.s32 $0xFFFFC000  }
0x8c: {  	[tilespmem:s18], [sflag:$0x2] =	stream.indirect.gather [hbm4b:s4+s16], $0x80, s28, s16, $0xb8;
	[tilespmem:$0x1C000] =	vst v63  }
0x8d: {  	_ =	swait.ge [sflag:s20], $0x4000  }
0x8e: {  	[sflag:s20] =	ssyncset.done $0x0  }
0x8f: {  	[sflag:s20] =	ssyncadd.s32 $0xFFFFC000  }
0x90: {  	[spmem:s1] =	stream.indirect.scatter.add.f32 [tilespmem:s17], [sflag:$0x3], $0x80, s29, s16, $0xb8;
	[tilespmem:$0x1C000] =	vst v63  }
0x91: {  	_ =	swait.ge [sflag:s22], $0x4000  }
0x92: {  	[sflag:s22] =	ssyncset.done $0x0  }
0x93: {  	[sflag:s22] =	ssyncadd.s32 $0xFFFFC000  }
0x94: {  	[spmem:s1] =	stream.indirect.scatter.add.f32 [tilespmem:s18], [sflag:$0x4], $0x80, s30, s16, $0xb8;
	[tilespmem:$0x1C000] =	vst v63  }
0x95: {  	_ =	swait.ge [sflag:s25], $0x4000  }
0x96: {  	[sflag:s25] =	ssyncset.done $0x0  }
0x97: {  	[sflag:s25] =	ssyncadd.s32 $0xFFFFC000  }
0x98: {  	_ =	swait.ge [sflag:s26], $0x4000  }
0x99: {  	s31 =	sadd.s32 $0x1, s31;
	[sflag:s26] =	ssyncset.done $0x0  }
0x9a: {  	p0 =	sne.s32 s31, s10;
	[sflag:s26] =	ssyncadd.s32 $0xFFFFC000  }
.Ltmp1:
0x9b: {  	[bflag:$0x0] =	sbarrier.arrive $0xFFFF;
	(pc) =	sbr.rel @p0 .LBB2_1-.Ltmp1, $4  }
0x9c: {  	[hbm:s9], [sflag:s6] =	dma.local [spmem:s13], $0x2780  }
0x9d: {  	_ =	swait.ge [sflag:s14], $0x2780  }
0x9e: {  	[sflag:s14] =	ssyncset.done $0x0  }
0x9f: {  	[sflag:s14] =	ssyncadd.s32 $0xFFFFD880  }
0xa0: {  	_ =	sfence.sel $0x180000  }
0xa1: {  	[bflag:$0x0] =	sbarrier.arrive $0xFFFF  }
0xa2: {  	_ =	strace $0x90000047  }
0xa3: {  	s0 =	stileid.u32;
	[bflag:$0x2] =	sbarrier.arrive $0xFFFF  }
0xa4: {  	p0 =	sne.s32 s0, $0x0;
	s0 =	rddreg [dreg:$0x3]  }
0xa5: {  	s0 =	sadd.s32 @!p0 $0x100000, s0  }
0xa6: {  	[sflag:s0] =	ssyncadd.tile.s32 @!p0 $0x1;
	_ =	shalt  }
.Lfunc_end2:
_tile_overlayer_lowered:
.L_overlay_start_2:
0xa7: {  	(tag) =	ssettag $0x2  }
0xa8: {  	s0 =	rddreg [dreg:$0x0];
	s2 =	stileid.u32  }
0xa9: {  	s1 =	rddreg [dreg:$0x1];
	p0 =	sne.s32 s2, $0x0  }
0xaa: {  	s3 =	rddreg [dreg:$0x2];
	[bflag:$0x3] =	sbarrier.arrive $0xFFFF;
	s2 =	simm.s32 @!p0 $0x1C07  }
0xab: {  	[timem:s3], [sflag:s2] =	dma.local @!p0 [hbm:s0], s1  }
0xac: {  	s0 =	simm.s32 @!p0 $0x7  }
0xad: {  	_ =	swait.ge @!p0 [sflag:s0], s1  }
0xae: {  	s1 =	ssub.s32 @!p0 $0x0, s1;
	[sflag:s0] =	ssyncset.done @!p0 $0x0  }
0xaf: {  	[sflag:s0] =	ssyncadd.s32 @!p0 s1  }
0xb0: {  	[bflag:$0x3] =	sbarrier.arrive $0xFFFF  }
0xb1: {  	_ =	shalt  }

</sc_bundles>
